<compile_context>
chip_gen: v7x
topology: tpu7x:2x2x1
jax: 0.10.2.dev20260603
libtpu: 0.0.44.dev20260713+nightly
codegen_flags: <defaults>
</compile_context>

<pallas_src>
import functools

import jax
import jax.numpy as jnp
from jax import lax
from jax.experimental import pallas as pl
from jax.experimental.pallas import tpu as pltpu
from jax.experimental.pallas import tpu_sc as plsc

_N = 10000
_D = 128
_E = 320000

_NC = 2
_NS = 16
_NW = _NC * _NS

_CHUNK = 128
_NCH = -(-_E // (_NW * _CHUNK)) * _NW
_EP = _NCH * _CHUNK
_CPT = _NCH // _NW
_NROWS = 10112
_RPT = _NROWS // _NS

_LANES = 16
_VPR = _D // _LANES


def _sc_body(x_hbm, tt_hbm, ea_hbm, srcm_hbm, dstm_hbm, out_hbm,
             srcv, dstv, eav, cv, xbuf, tbuf, sem1, sem2, acc):
    cid = lax.axis_index("c")
    sid = lax.axis_index("s")
    wid = sid * _NC + cid

    def _zero_row(i, _):
        for j in range(_VPR):
            xbuf[i, pl.ds(j * _LANES, _LANES)] = jnp.zeros((_LANES,), jnp.float32)
        return _
    lax.fori_loop(0, _CHUNK, _zero_row, None)

    base = sid * _RPT
    full = _RPT // _CHUNK
    for k in range(full):
        pltpu.sync_copy(xbuf, acc.at[pl.ds(base + k * _CHUNK, _CHUNK)])
    rem = _RPT - full * _CHUNK
    if rem:
        pltpu.sync_copy(xbuf.at[pl.ds(0, rem)], acc.at[pl.ds(base + full * _CHUNK, rem)])
    plsc.subcore_barrier()

    def _chunk(k, _):
        row = wid * _CPT + k
        pltpu.sync_copy(srcm_hbm.at[row], srcv)
        pltpu.sync_copy(dstm_hbm.at[row], dstv)
        pltpu.sync_copy(ea_hbm.at[row], eav)
        for j in range(_CHUNK // _LANES):
            sl = pl.ds(j * _LANES, _LANES)
            cv[sl] = eav[0, sl] * 12 + eav[1, sl] * 2 + eav[2, sl]
        cp1 = pltpu.async_copy(tt_hbm.at[cv], tbuf, sem1)
        cp2 = pltpu.async_copy(x_hbm.at[srcv], xbuf, sem2)
        cp1.wait()
        cp2.wait()

        def _msg_row(i, _c):
            for j in range(_VPR):
                sl = pl.ds(j * _LANES, _LANES)
                xbuf[i, sl] = jnp.maximum(xbuf[i, sl] + tbuf[i, sl], 0.0)
            return _c
        lax.fori_loop(0, _CHUNK, _msg_row, None)

        pltpu.sync_copy(xbuf, acc.at[dstv], add=True)
        return _

    lax.fori_loop(0, _CPT, _chunk, None)
    plsc.subcore_barrier()

    pltpu.sync_copy(acc.at[pl.ds(base, _RPT)], out_hbm.at[cid, pl.ds(base, _RPT)])


_sc_aggregate = pl.kernel(
    _sc_body,
    out_type=jax.ShapeDtypeStruct((_NC, _NROWS, _D), jnp.float32),
    mesh=plsc.VectorSubcoreMesh(
        core_axis_name="c", subcore_axis_name="s",
        num_cores=_NC, num_subcores=_NS),
    scratch_types=[
        pltpu.VMEM((_CHUNK,), jnp.int32),
        pltpu.VMEM((_CHUNK,), jnp.int32),
        pltpu.VMEM((3, _CHUNK), jnp.int32),
        pltpu.VMEM((_CHUNK,), jnp.int32),
        pltpu.VMEM((_CHUNK, _D), jnp.float32),
        pltpu.VMEM((_CHUNK, _D), jnp.float32),
        pltpu.SemaphoreType.DMA,
        pltpu.SemaphoreType.DMA,
        pltpu.VMEM_SHARED((_NROWS, _D), jnp.float32),
    ],
)


def _tc_body(scale_ref, x_ref, p_ref, w1_ref, b1_ref, g_ref, bb_ref,
             w2_ref, b2_ref, o_ref):
    h = scale_ref[0, 0] * x_ref[...] + p_ref[0] + p_ref[1]
    h = jnp.dot(h, w1_ref[...], preferred_element_type=jnp.float32) + b1_ref[...]
    mu = jnp.mean(h, axis=-1, keepdims=True)
    var = jnp.mean((h - mu) * (h - mu), axis=-1, keepdims=True)
    h = (h - mu) * lax.rsqrt(var + 1e-5) * g_ref[...] + bb_ref[...]
    h = jnp.maximum(h, 0.0)
    o_ref[...] = jnp.dot(h, w2_ref[...], preferred_element_type=jnp.float32) + b2_ref[...]


_BR = 1000


def _tc_mlp(scale, x, partials, W1, b1, ln_g, ln_b, W2, b2):
    grid = (_N // _BR,)
    return pl.pallas_call(
        _tc_body,
        grid=grid,
        in_specs=[
            pl.BlockSpec((1, 1), lambda i: (0, 0), memory_space=pltpu.SMEM),
            pl.BlockSpec((_BR, _D), lambda i: (i, 0)),
            pl.BlockSpec((_NC, _BR, _D), lambda i: (0, i, 0)),
            pl.BlockSpec((_D, _D), lambda i: (0, 0)),
            pl.BlockSpec((1, _D), lambda i: (0, 0)),
            pl.BlockSpec((1, _D), lambda i: (0, 0)),
            pl.BlockSpec((1, _D), lambda i: (0, 0)),
            pl.BlockSpec((_D, _D), lambda i: (0, 0)),
            pl.BlockSpec((1, _D), lambda i: (0, 0)),
        ],
        out_specs=pl.BlockSpec((_BR, _D), lambda i: (i, 0)),
        out_shape=jax.ShapeDtypeStruct((_N, _D), jnp.float32),
    )(scale, x, partials, W1, b1, ln_g, ln_b, W2, b2)


def kernel(x, edge_index, edge_attr, eps, B0, B1, B2, W1, b1, ln_g, ln_b, W2, b2):
    tt = (B0[:, None, None, :] + B1[None, :, None, :] + B2[None, None, :, :]
          ).reshape(5 * 6 * 2, _D)

    pad = _EP - _E
    src = jnp.concatenate([edge_index[0], jnp.zeros((pad,), jnp.int32)])
    dst = jnp.concatenate([edge_index[1], jnp.full((pad,), _N, jnp.int32)])
    ea = jnp.concatenate([edge_attr, jnp.zeros((pad, 3), jnp.int32)])
    srcm = src.reshape(_NCH, _CHUNK)
    dstm = dst.reshape(_NCH, _CHUNK)
    eam = ea.reshape(_NCH, _CHUNK, 3).transpose(0, 2, 1)

    partials = _sc_aggregate(x, tt, eam, srcm, dstm)

    scale = (1.0 + eps).reshape(1, 1)
    return _tc_mlp(scale, x, partials, W1, b1.reshape(1, _D),
                   ln_g.reshape(1, _D), ln_b.reshape(1, _D), W2, b2.reshape(1, _D))

# --- scband reference (transcript-rebuilt; emitter-appended) ---
"""Pipeline reference for scband-ogbgcustom-gine-36283883716969 (READ-ONLY COPY).

The authoritative reference and input builder live on the scoring server;
editing this copy changes nothing except your own understanding.
"""

import jax, jax.numpy as jnp
import numpy as np

N = 10000
E = 320000
D = 128


def setup_inputs(seed: int = 0):
    key = jax.random.key(seed)
    ks = jax.random.split(key, 12)
    x = jax.random.normal(ks[0], (N, D), dtype=jnp.float32)
    edge_index = jax.random.randint(ks[1], (2, E), 0, N, dtype=jnp.int32)
    edge_attr = jax.random.randint(ks[2], (E, 3), 0, 2, dtype=jnp.int32)
    # BondEncoder tables (OGB bond feature dims [5, 6, 2]), embed to in_dim=D
    B0 = jax.random.normal(ks[3], (5, D), dtype=jnp.float32) * 0.05
    B1 = jax.random.normal(ks[4], (6, D), dtype=jnp.float32) * 0.05
    B2 = jax.random.normal(ks[5], (2, D), dtype=jnp.float32) * 0.05
    # GINEConv learnable eps (train_eps=True, init 0)
    eps = jnp.zeros((), dtype=jnp.float32)
    # MLP: Linear(D->D) -> LayerNorm -> ReLU -> Linear(D->D)
    W1 = jax.random.normal(ks[6], (D, D), dtype=jnp.float32) * (1.0 / np.sqrt(D))
    b1 = jnp.zeros((D,), dtype=jnp.float32)
    ln_g = jnp.ones((D,), dtype=jnp.float32)
    ln_b = jnp.zeros((D,), dtype=jnp.float32)
    W2 = jax.random.normal(ks[7], (D, D), dtype=jnp.float32) * (1.0 / np.sqrt(D))
    b2 = jnp.zeros((D,), dtype=jnp.float32)
    return {"x": x, "edge_index": edge_index, "edge_attr": edge_attr, "eps": eps,
            "B0": B0, "B1": B1, "B2": B2, "W1": W1, "b1": b1,
            "ln_g": ln_g, "ln_b": ln_b, "W2": W2, "b2": b2}


def reference(x, edge_index, edge_attr, eps, B0, B1, B2, W1, b1, ln_g, ln_b, W2, b2):
    # BondEncoder: sum of per-feature embedding lookups
    edge_emb = B0[edge_attr[:, 0]] + B1[edge_attr[:, 1]] + B2[edge_attr[:, 2]]
    src = edge_index[0]
    dst = edge_index[1]
    # GINEConv message: relu(x_j + edge_emb), aggregated by sum onto dst nodes
    msg = jax.nn.relu(x[src] + edge_emb)
    aggr = jax.ops.segment_sum(msg, dst, num_segments=N)
    h = (1.0 + eps) * x + aggr
    # MLP
    h = h @ W1 + b1
    mu = jnp.mean(h, axis=-1, keepdims=True)
    var = jnp.var(h, axis=-1, keepdims=True)
    h = (h - mu) / jnp.sqrt(var + 1e-5) * ln_g + ln_b
    h = jax.nn.relu(h)
    out = h @ W2 + b2
    return out

if __name__ == "__main__":
    import jax
    _d = setup_inputs()
    print(jax.jit(kernel)(*tuple(_d.values())))

</pallas_src>

<mosaic_0001>
#map = affine_map<(d0, d1) -> (0, 0)>
#map1 = affine_map<(d0, d1) -> (0, 0, 0)>
module attributes {stable_mosaic.version = 14 : i64} {
  func.func @_sc_body(%arg0: i32, %arg1: i32, %arg2: memref<10000x128xf32, #tpu.memory_space<hbm>>, %arg3: memref<60x128xf32, #tpu.memory_space<hbm>>, %arg4: memref<2528x3x128xi32, #tpu.memory_space<hbm>>, %arg5: memref<2528x128xi32, #tpu.memory_space<hbm>>, %arg6: memref<2528x128xi32, #tpu.memory_space<hbm>>, %arg7: memref<2x10112x128xf32, #tpu.memory_space<hbm>>, %arg8: memref<128xi32, #tpu.memory_space<vmem>>, %arg9: memref<128xi32, #tpu.memory_space<vmem>>, %arg10: memref<3x128xi32, #tpu.memory_space<vmem>>, %arg11: memref<128xi32, #tpu.memory_space<vmem>>, %arg12: memref<128x128xf32, #tpu.memory_space<vmem>>, %arg13: memref<128x128xf32, #tpu.memory_space<vmem>>, %arg14: memref<!tpu.dma_semaphore, #tpu.memory_space<semaphore_mem>>, %arg15: memref<!tpu.dma_semaphore, #tpu.memory_space<semaphore_mem>>, %arg16: memref<10112x128xf32, #tpu.memory_space<vmem_shared>>) attributes {dimension_semantics = [#tpu.dimension_semantics<core_parallel>, #tpu.dimension_semantics<subcore_parallel>], iteration_bounds = array<i64: 2, 16>, scalar_prefetch = 0 : i64, scratch_operands = 9 : i64, tpu.core_type = #tpu.core_type<sc_vector_subcore>, window_params = [{transform_indices = #map}, {transform_indices = #map}, {transform_indices = #map1}, {transform_indices = #map}, {transform_indices = #map}, {transform_indices = #map1}]} {
    %mul3A = arith.constant 2 : i32
    %mul3A_0 = arith.muli %arg1, %mul3A : i32
    %add3A = arith.addi %mul3A_0, %arg0 : i32
    %scan3A = arith.constant 0 : i32
    %scan3A_1 = arith.constant 128 : i32
    %scan3A_2 = arith.addi %scan3A, %scan3A_1 : i32
    %scan3A_3 = arith.constant 1 : i32
    scf.for %scan3A_23 = %scan3A to %scan3A_2 step %scan3A_3  : i32 {
      %broadcast_in_dim3A = arith.constant 0.000000e+00 : f32
      %broadcast_in_dim3A_24 = vector.broadcast %broadcast_in_dim3A : f32 to vector<16xf32>
      %swap3A = arith.index_cast %scan3A_23 : i32 to index
      %swap3A_25 = arith.constant 0 : index
      %swap3A_26 = tpu.vector_load %arg12[%swap3A, %swap3A_25] {strides = array<i32>} : memref<128x128xf32, #tpu.memory_space<vmem>>, vector<1x16xf32>,
      %swap3A_27 = vector.shape_cast %swap3A_26 : vector<1x16xf32> to vector<16xf32>
      %swap3A_28 = vector.shape_cast %broadcast_in_dim3A_24 : vector<16xf32> to vector<1x16xf32>
      tpu.vector_store %arg12[%swap3A, %swap3A_25], %swap3A_28 {strides = array<i32>} : memref<128x128xf32, #tpu.memory_space<vmem>>, vector<1x16xf32>,
      %broadcast_in_dim3A_29 = arith.constant 0.000000e+00 : f32
      %broadcast_in_dim3A_30 = vector.broadcast %broadcast_in_dim3A_29 : f32 to vector<16xf32>
      %swap3A_31 = arith.index_cast %scan3A_23 : i32 to index
      %swap3A_32 = arith.constant 16 : index
      %swap3A_33 = tpu.vector_load %arg12[%swap3A_31, %swap3A_32] {strides = array<i32>} : memref<128x128xf32, #tpu.memory_space<vmem>>, vector<1x16xf32>,
      %swap3A_34 = vector.shape_cast %swap3A_33 : vector<1x16xf32> to vector<16xf32>
      %swap3A_35 = vector.shape_cast %broadcast_in_dim3A_30 : vector<16xf32> to vector<1x16xf32>
      tpu.vector_store %arg12[%swap3A_31, %swap3A_32], %swap3A_35 {strides = array<i32>} : memref<128x128xf32, #tpu.memory_space<vmem>>, vector<1x16xf32>,
      %broadcast_in_dim3A_36 = arith.constant 0.000000e+00 : f32
      %broadcast_in_dim3A_37 = vector.broadcast %broadcast_in_dim3A_36 : f32 to vector<16xf32>
      %swap3A_38 = arith.index_cast %scan3A_23 : i32 to index
      %swap3A_39 = arith.constant 32 : index
      %swap3A_40 = tpu.vector_load %arg12[%swap3A_38, %swap3A_39] {strides = array<i32>} : memref<128x128xf32, #tpu.memory_space<vmem>>, vector<1x16xf32>,
      %swap3A_41 = vector.shape_cast %swap3A_40 : vector<1x16xf32> to vector<16xf32>
      %swap3A_42 = vector.shape_cast %broadcast_in_dim3A_37 : vector<16xf32> to vector<1x16xf32>
      tpu.vector_store %arg12[%swap3A_38, %swap3A_39], %swap3A_42 {strides = array<i32>} : memref<128x128xf32, #tpu.memory_space<vmem>>, vector<1x16xf32>,
      %broadcast_in_dim3A_43 = arith.constant 0.000000e+00 : f32
      %broadcast_in_dim3A_44 = vector.broadcast %broadcast_in_dim3A_43 : f32 to vector<16xf32>
      %swap3A_45 = arith.index_cast %scan3A_23 : i32 to index
      %swap3A_46 = arith.constant 48 : index
      %swap3A_47 = tpu.vector_load %arg12[%swap3A_45, %swap3A_46] {strides = array<i32>} : memref<128x128xf32, #tpu.memory_space<vmem>>, vector<1x16xf32>,
      %swap3A_48 = vector.shape_cast %swap3A_47 : vector<1x16xf32> to vector<16xf32>
      %swap3A_49 = vector.shape_cast %broadcast_in_dim3A_44 : vector<16xf32> to vector<1x16xf32>
      tpu.vector_store %arg12[%swap3A_45, %swap3A_46], %swap3A_49 {strides = array<i32>} : memref<128x128xf32, #tpu.memory_space<vmem>>, vector<1x16xf32>,
      %broadcast_in_dim3A_50 = arith.constant 0.000000e+00 : f32
      %broadcast_in_dim3A_51 = vector.broadcast %broadcast_in_dim3A_50 : f32 to vector<16xf32>
      %swap3A_52 = arith.index_cast %scan3A_23 : i32 to index
      %swap3A_53 = arith.constant 64 : index
      %swap3A_54 = tpu.vector_load %arg12[%swap3A_52, %swap3A_53] {strides = array<i32>} : memref<128x128xf32, #tpu.memory_space<vmem>>, vector<1x16xf32>,
      %swap3A_55 = vector.shape_cast %swap3A_54 : vector<1x16xf32> to vector<16xf32>
      %swap3A_56 = vector.shape_cast %broadcast_in_dim3A_51 : vector<16xf32> to vector<1x16xf32>
      tpu.vector_store %arg12[%swap3A_52, %swap3A_53], %swap3A_56 {strides = array<i32>} : memref<128x128xf32, #tpu.memory_space<vmem>>, vector<1x16xf32>,
      %broadcast_in_dim3A_57 = arith.constant 0.000000e+00 : f32
      %broadcast_in_dim3A_58 = vector.broadcast %broadcast_in_dim3A_57 : f32 to vector<16xf32>
      %swap3A_59 = arith.index_cast %scan3A_23 : i32 to index
      %swap3A_60 = arith.constant 80 : index
      %swap3A_61 = tpu.vector_load %arg12[%swap3A_59, %swap3A_60] {strides = array<i32>} : memref<128x128xf32, #tpu.memory_space<vmem>>, vector<1x16xf32>,
      %swap3A_62 = vector.shape_cast %swap3A_61 : vector<1x16xf32> to vector<16xf32>
      %swap3A_63 = vector.shape_cast %broadcast_in_dim3A_58 : vector<16xf32> to vector<1x16xf32>
      tpu.vector_store %arg12[%swap3A_59, %swap3A_60], %swap3A_63 {strides = array<i32>} : memref<128x128xf32, #tpu.memory_space<vmem>>, vector<1x16xf32>,
      %broadcast_in_dim3A_64 = arith.constant 0.000000e+00 : f32
      %broadcast_in_dim3A_65 = vector.broadcast %broadcast_in_dim3A_64 : f32 to vector<16xf32>
      %swap3A_66 = arith.index_cast %scan3A_23 : i32 to index
      %swap3A_67 = arith.constant 96 : index
      %swap3A_68 = tpu.vector_load %arg12[%swap3A_66, %swap3A_67] {strides = array<i32>} : memref<128x128xf32, #tpu.memory_space<vmem>>, vector<1x16xf32>,
      %swap3A_69 = vector.shape_cast %swap3A_68 : vector<1x16xf32> to vector<16xf32>
      %swap3A_70 = vector.shape_cast %broadcast_in_dim3A_65 : vector<16xf32> to vector<1x16xf32>
      tpu.vector_store %arg12[%swap3A_66, %swap3A_67], %swap3A_70 {strides = array<i32>} : memref<128x128xf32, #tpu.memory_space<vmem>>, vector<1x16xf32>,
      %broadcast_in_dim3A_71 = arith.constant 0.000000e+00 : f32
      %broadcast_in_dim3A_72 = vector.broadcast %broadcast_in_dim3A_71 : f32 to vector<16xf32>
      %swap3A_73 = arith.index_cast %scan3A_23 : i32 to index
      %swap3A_74 = arith.constant 112 : index
      %swap3A_75 = tpu.vector_load %arg12[%swap3A_73, %swap3A_74] {strides = array<i32>} : memref<128x128xf32, #tpu.memory_space<vmem>>, vector<1x16xf32>,
      %swap3A_76 = vector.shape_cast %swap3A_75 : vector<1x16xf32> to vector<16xf32>
      %swap3A_77 = vector.shape_cast %broadcast_in_dim3A_72 : vector<16xf32> to vector<1x16xf32>
      tpu.vector_store %arg12[%swap3A_73, %swap3A_74], %swap3A_77 {strides = array<i32>} : memref<128x128xf32, #tpu.memory_space<vmem>>, vector<1x16xf32>,
    }
    %scan3A_4 = arith.constant 128 : i32
    %mul3A_5 = arith.constant 632 : i32
    %mul3A_6 = arith.muli %arg1, %mul3A_5 : i32
    %add3A_7 = arith.constant 0 : i32
    %add3A_8 = arith.addi %mul3A_6, %add3A_7 : i32
    "tpu.region"() ({
      %run_scoped3A = tpu.sem_alloc : memref<!tpu.dma_semaphore, #tpu.memory_space<semaphore_mem>>
      %dma_start3A = arith.constant 0 : i32
      %dma_start3A_23 = tpu.memref_slice %arg16[%add3A_8, %dma_start3A] : memref<10112x128xf32, #tpu.memory_space<vmem_shared>> -> memref<128x128xf32, #tpu.memory_space<vmem_shared>>
      %dma_start3A_24 = arith.constant 0 : i32
      %dma_start3A_25 = tpu.memref_slice %arg16[%add3A_8, %dma_start3A_24] : memref<10112x128xf32, #tpu.memory_space<vmem_shared>> -> memref<128x128xf32, #tpu.memory_space<vmem_shared>>
      tpu.enqueue_dma source(%arg12 : memref<128x128xf32, #tpu.memory_space<vmem>>) target(%dma_start3A_25 : memref<128x128xf32, #tpu.memory_space<vmem_shared>>) target_semaphore(%run_scoped3A : memref<!tpu.dma_semaphore, #tpu.memory_space<semaphore_mem>>)
      %dma_wait3A = arith.constant 0 : i32
      %dma_wait3A_26 = tpu.memref_slice %arg16[%add3A_8, %dma_wait3A] : memref<10112x128xf32, #tpu.memory_space<vmem_shared>> -> memref<128x128xf32, #tpu.memory_space<vmem_shared>>
      %dma_wait3A_27 = arith.constant 0 : i32
      %dma_wait3A_28 = tpu.memref_slice %arg16[%add3A_8, %dma_wait3A_27] : memref<10112x128xf32, #tpu.memory_space<vmem_shared>> -> memref<128x128xf32, #tpu.memory_space<vmem_shared>>
      tpu.wait_dma2 semaphore(%run_scoped3A : memref<!tpu.dma_semaphore, #tpu.memory_space<semaphore_mem>>) src(%arg12 : memref<128x128xf32, #tpu.memory_space<vmem>>) dst(%dma_wait3A_28 : memref<128x128xf32, #tpu.memory_space<vmem_shared>>)
      tpu.yield
    }) : () -> ()
    %add3A_9 = arith.constant 128 : i32
    %add3A_10 = arith.addi %mul3A_6, %add3A_9 : i32
    "tpu.region"() ({
      %run_scoped3A = tpu.sem_alloc : memref<!tpu.dma_semaphore, #tpu.memory_space<semaphore_mem>>
      %dma_start3A = arith.constant 0 : i32
      %dma_start3A_23 = tpu.memref_slice %arg16[%add3A_10, %dma_start3A] : memref<10112x128xf32, #tpu.memory_space<vmem_shared>> -> memref<128x128xf32, #tpu.memory_space<vmem_shared>>
      %dma_start3A_24 = arith.constant 0 : i32
      %dma_start3A_25 = tpu.memref_slice %arg16[%add3A_10, %dma_start3A_24] : memref<10112x128xf32, #tpu.memory_space<vmem_shared>> -> memref<128x128xf32, #tpu.memory_space<vmem_shared>>
      tpu.enqueue_dma source(%arg12 : memref<128x128xf32, #tpu.memory_space<vmem>>) target(%dma_start3A_25 : memref<128x128xf32, #tpu.memory_space<vmem_shared>>) target_semaphore(%run_scoped3A : memref<!tpu.dma_semaphore, #tpu.memory_space<semaphore_mem>>)
      %dma_wait3A = arith.constant 0 : i32
      %dma_wait3A_26 = tpu.memref_slice %arg16[%add3A_10, %dma_wait3A] : memref<10112x128xf32, #tpu.memory_space<vmem_shared>> -> memref<128x128xf32, #tpu.memory_space<vmem_shared>>
      %dma_wait3A_27 = arith.constant 0 : i32
      %dma_wait3A_28 = tpu.memref_slice %arg16[%add3A_10, %dma_wait3A_27] : memref<10112x128xf32, #tpu.memory_space<vmem_shared>> -> memref<128x128xf32, #tpu.memory_space<vmem_shared>>
      tpu.wait_dma2 semaphore(%run_scoped3A : memref<!tpu.dma_semaphore, #tpu.memory_space<semaphore_mem>>) src(%arg12 : memref<128x128xf32, #tpu.memory_space<vmem>>) dst(%dma_wait3A_28 : memref<128x128xf32, #tpu.memory_space<vmem_shared>>)
      tpu.yield
    }) : () -> ()
    %add3A_11 = arith.constant 256 : i32
    %add3A_12 = arith.addi %mul3A_6, %add3A_11 : i32
    "tpu.region"() ({
      %run_scoped3A = tpu.sem_alloc : memref<!tpu.dma_semaphore, #tpu.memory_space<semaphore_mem>>
      %dma_start3A = arith.constant 0 : i32
      %dma_start3A_23 = tpu.memref_slice %arg16[%add3A_12, %dma_start3A] : memref<10112x128xf32, #tpu.memory_space<vmem_shared>> -> memref<128x128xf32, #tpu.memory_space<vmem_shared>>
      %dma_start3A_24 = arith.constant 0 : i32
      %dma_start3A_25 = tpu.memref_slice %arg16[%add3A_12, %dma_start3A_24] : memref<10112x128xf32, #tpu.memory_space<vmem_shared>> -> memref<128x128xf32, #tpu.memory_space<vmem_shared>>
      tpu.enqueue_dma source(%arg12 : memref<128x128xf32, #tpu.memory_space<vmem>>) target(%dma_start3A_25 : memref<128x128xf32, #tpu.memory_space<vmem_shared>>) target_semaphore(%run_scoped3A : memref<!tpu.dma_semaphore, #tpu.memory_space<semaphore_mem>>)
      %dma_wait3A = arith.constant 0 : i32
      %dma_wait3A_26 = tpu.memref_slice %arg16[%add3A_12, %dma_wait3A] : memref<10112x128xf32, #tpu.memory_space<vmem_shared>> -> memref<128x128xf32, #tpu.memory_space<vmem_shared>>
      %dma_wait3A_27 = arith.constant 0 : i32
      %dma_wait3A_28 = tpu.memref_slice %arg16[%add3A_12, %dma_wait3A_27] : memref<10112x128xf32, #tpu.memory_space<vmem_shared>> -> memref<128x128xf32, #tpu.memory_space<vmem_shared>>
      tpu.wait_dma2 semaphore(%run_scoped3A : memref<!tpu.dma_semaphore, #tpu.memory_space<semaphore_mem>>) src(%arg12 : memref<128x128xf32, #tpu.memory_space<vmem>>) dst(%dma_wait3A_28 : memref<128x128xf32, #tpu.memory_space<vmem_shared>>)
      tpu.yield
    }) : () -> ()
    %add3A_13 = arith.constant 384 : i32
    %add3A_14 = arith.addi %mul3A_6, %add3A_13 : i32
    "tpu.region"() ({
      %run_scoped3A = tpu.sem_alloc : memref<!tpu.dma_semaphore, #tpu.memory_space<semaphore_mem>>
      %dma_start3A = arith.constant 0 : i32
      %dma_start3A_23 = tpu.memref_slice %arg16[%add3A_14, %dma_start3A] : memref<10112x128xf32, #tpu.memory_space<vmem_shared>> -> memref<128x128xf32, #tpu.memory_space<vmem_shared>>
      %dma_start3A_24 = arith.constant 0 : i32
      %dma_start3A_25 = tpu.memref_slice %arg16[%add3A_14, %dma_start3A_24] : memref<10112x128xf32, #tpu.memory_space<vmem_shared>> -> memref<128x128xf32, #tpu.memory_space<vmem_shared>>
      tpu.enqueue_dma source(%arg12 : memref<128x128xf32, #tpu.memory_space<vmem>>) target(%dma_start3A_25 : memref<128x128xf32, #tpu.memory_space<vmem_shared>>) target_semaphore(%run_scoped3A : memref<!tpu.dma_semaphore, #tpu.memory_space<semaphore_mem>>)
      %dma_wait3A = arith.constant 0 : i32
      %dma_wait3A_26 = tpu.memref_slice %arg16[%add3A_14, %dma_wait3A] : memref<10112x128xf32, #tpu.memory_space<vmem_shared>> -> memref<128x128xf32, #tpu.memory_space<vmem_shared>>
      %dma_wait3A_27 = arith.constant 0 : i32
      %dma_wait3A_28 = tpu.memref_slice %arg16[%add3A_14, %dma_wait3A_27] : memref<10112x128xf32, #tpu.memory_space<vmem_shared>> -> memref<128x128xf32, #tpu.memory_space<vmem_shared>>
      tpu.wait_dma2 semaphore(%run_scoped3A : memref<!tpu.dma_semaphore, #tpu.memory_space<semaphore_mem>>) src(%arg12 : memref<128x128xf32, #tpu.memory_space<vmem>>) dst(%dma_wait3A_28 : memref<128x128xf32, #tpu.memory_space<vmem_shared>>)
      tpu.yield
    }) : () -> ()
    %add3A_15 = arith.constant 512 : i32
    %add3A_16 = arith.addi %mul3A_6, %add3A_15 : i32
    "tpu.region"() ({
      %run_scoped3A = tpu.sem_alloc : memref<!tpu.dma_semaphore, #tpu.memory_space<semaphore_mem>>
      %dma_start3A = arith.constant 0 : i32
      %dma_start3A_23 = arith.constant 0 : i32
      %dma_start3A_24 = tpu.memref_slice %arg12[%dma_start3A, %dma_start3A_23] : memref<128x128xf32, #tpu.memory_space<vmem>> -> memref<120x128xf32, #tpu.memory_space<vmem>>
      %dma_start3A_25 = arith.constant 0 : i32
      %dma_start3A_26 = tpu.memref_slice %arg16[%add3A_16, %dma_start3A_25] : memref<10112x128xf32, #tpu.memory_space<vmem_shared>> -> memref<120x128xf32, #tpu.memory_space<vmem_shared>>
      %dma_start3A_27 = arith.constant 0 : i32
      %dma_start3A_28 = tpu.memref_slice %arg16[%add3A_16, %dma_start3A_27] : memref<10112x128xf32, #tpu.memory_space<vmem_shared>> -> memref<120x128xf32, #tpu.memory_space<vmem_shared>>
      %dma_start3A_29 = arith.constant 0 : i32
      %dma_start3A_30 = arith.constant 0 : i32
      %dma_start3A_31 = tpu.memref_slice %arg12[%dma_start3A_29, %dma_start3A_30] : memref<128x128xf32, #tpu.memory_space<vmem>> -> memref<120x128xf32, #tpu.memory_space<vmem>>
      tpu.enqueue_dma source(%dma_start3A_31 : memref<120x128xf32, #tpu.memory_space<vmem>>) target(%dma_start3A_28 : memref<120x128xf32, #tpu.memory_space<vmem_shared>>) target_semaphore(%run_scoped3A : memref<!tpu.dma_semaphore, #tpu.memory_space<semaphore_mem>>)
      %dma_wait3A = arith.constant 0 : i32
      %dma_wait3A_32 = arith.constant 0 : i32
      %dma_wait3A_33 = tpu.memref_slice %arg12[%dma_wait3A, %dma_wait3A_32] : memref<128x128xf32, #tpu.memory_space<vmem>> -> memref<120x128xf32, #tpu.memory_space<vmem>>
      %dma_wait3A_34 = arith.constant 0 : i32
      %dma_wait3A_35 = tpu.memref_slice %arg16[%add3A_16, %dma_wait3A_34] : memref<10112x128xf32, #tpu.memory_space<vmem_shared>> -> memref<120x128xf32, #tpu.memory_space<vmem_shared>>
      %dma_wait3A_36 = arith.constant 0 : i32
      %dma_wait3A_37 = tpu.memref_slice %arg16[%add3A_16, %dma_wait3A_36] : memref<10112x128xf32, #tpu.memory_space<vmem_shared>> -> memref<120x128xf32, #tpu.memory_space<vmem_shared>>
      %dma_wait3A_38 = arith.constant 0 : i32
      %dma_wait3A_39 = arith.constant 0 : i32
      %dma_wait3A_40 = tpu.memref_slice %arg12[%dma_wait3A_38, %dma_wait3A_39] : memref<128x128xf32, #tpu.memory_space<vmem>> -> memref<120x128xf32, #tpu.memory_space<vmem>>
      tpu.wait_dma2 semaphore(%run_scoped3A : memref<!tpu.dma_semaphore, #tpu.memory_space<semaphore_mem>>) src(%dma_wait3A_40 : memref<120x128xf32, #tpu.memory_space<vmem>>) dst(%dma_wait3A_37 : memref<120x128xf32, #tpu.memory_space<vmem_shared>>)
      tpu.yield
    }) : () -> ()
    %barrier3A = arith.constant 0 : index
    tpu.barrier barrier_id(%barrier3A)
    %scan3A_17 = arith.constant 0 : i32
    %scan3A_18 = arith.constant 79 : i32
    %scan3A_19 = arith.addi %scan3A_17, %scan3A_18 : i32
    %scan3A_20 = arith.constant 1 : i32
    scf.for %scan3A_23 = %scan3A_17 to %scan3A_19 step %scan3A_20  : i32 {
      %mul3A_24 = arith.constant 79 : i32
      %mul3A_25 = arith.muli %add3A, %mul3A_24 : i32
      %add3A_26 = arith.addi %mul3A_25, %scan3A_23 : i32
      "tpu.region"() ({
        %run_scoped3A = tpu.sem_alloc : memref<!tpu.dma_semaphore, #tpu.memory_space<semaphore_mem>>
        %dma_start3A_256 = arith.constant 0 : i32
        %dma_start3A_257 = tpu.memref_slice %arg5[%add3A_26, %dma_start3A_256] : memref<2528x128xi32, #tpu.memory_space<hbm>> -> memref<1x128xi32, #tpu.memory_space<hbm>>
        %dma_start3A_258 = tpu.memref_squeeze %dma_start3A_257 : memref<1x128xi32, #tpu.memory_space<hbm>> -> memref<128xi32, #tpu.memory_space<hbm>>
        %dma_start3A_259 = arith.constant 0 : i32
        %dma_start3A_260 = tpu.memref_slice %arg5[%add3A_26, %dma_start3A_259] : memref<2528x128xi32, #tpu.memory_space<hbm>> -> memref<1x128xi32, #tpu.memory_space<hbm>>
        %dma_start3A_261 = tpu.memref_squeeze %dma_start3A_260 : memref<1x128xi32, #tpu.memory_space<hbm>> -> memref<128xi32, #tpu.memory_space<hbm>>
        tpu.enqueue_dma source(%dma_start3A_261 : memref<128xi32, #tpu.memory_space<hbm>>) target(%arg8 : memref<128xi32, #tpu.memory_space<vmem>>) target_semaphore(%run_scoped3A : memref<!tpu.dma_semaphore, #tpu.memory_space<semaphore_mem>>)
        %dma_wait3A_262 = arith.constant 0 : i32
        %dma_wait3A_263 = tpu.memref_slice %arg5[%add3A_26, %dma_wait3A_262] : memref<2528x128xi32, #tpu.memory_space<hbm>> -> memref<1x128xi32, #tpu.memory_space<hbm>>
        %dma_wait3A_264 = tpu.memref_squeeze %dma_wait3A_263 : memref<1x128xi32, #tpu.memory_space<hbm>> -> memref<128xi32, #tpu.memory_space<hbm>>
        %dma_wait3A_265 = arith.constant 0 : i32
        %dma_wait3A_266 = tpu.memref_slice %arg5[%add3A_26, %dma_wait3A_265] : memref<2528x128xi32, #tpu.memory_space<hbm>> -> memref<1x128xi32, #tpu.memory_space<hbm>>
        %dma_wait3A_267 = tpu.memref_squeeze %dma_wait3A_266 : memref<1x128xi32, #tpu.memory_space<hbm>> -> memref<128xi32, #tpu.memory_space<hbm>>
        tpu.wait_dma2 semaphore(%run_scoped3A : memref<!tpu.dma_semaphore, #tpu.memory_space<semaphore_mem>>) src(%dma_wait3A_267 : memref<128xi32, #tpu.memory_space<hbm>>) dst(%arg8 : memref<128xi32, #tpu.memory_space<vmem>>)
        tpu.yield
      }) : () -> ()
      "tpu.region"() ({
        %run_scoped3A = tpu.sem_alloc : memref<!tpu.dma_semaphore, #tpu.memory_space<semaphore_mem>>
        %dma_start3A_256 = arith.constant 0 : i32
        %dma_start3A_257 = tpu.memref_slice %arg6[%add3A_26, %dma_start3A_256] : memref<2528x128xi32, #tpu.memory_space<hbm>> -> memref<1x128xi32, #tpu.memory_space<hbm>>
        %dma_start3A_258 = tpu.memref_squeeze %dma_start3A_257 : memref<1x128xi32, #tpu.memory_space<hbm>> -> memref<128xi32, #tpu.memory_space<hbm>>
        %dma_start3A_259 = arith.constant 0 : i32
        %dma_start3A_260 = tpu.memref_slice %arg6[%add3A_26, %dma_start3A_259] : memref<2528x128xi32, #tpu.memory_space<hbm>> -> memref<1x128xi32, #tpu.memory_space<hbm>>
        %dma_start3A_261 = tpu.memref_squeeze %dma_start3A_260 : memref<1x128xi32, #tpu.memory_space<hbm>> -> memref<128xi32, #tpu.memory_space<hbm>>
        tpu.enqueue_dma source(%dma_start3A_261 : memref<128xi32, #tpu.memory_space<hbm>>) target(%arg9 : memref<128xi32, #tpu.memory_space<vmem>>) target_semaphore(%run_scoped3A : memref<!tpu.dma_semaphore, #tpu.memory_space<semaphore_mem>>)
        %dma_wait3A_262 = arith.constant 0 : i32
        %dma_wait3A_263 = tpu.memref_slice %arg6[%add3A_26, %dma_wait3A_262] : memref<2528x128xi32, #tpu.memory_space<hbm>> -> memref<1x128xi32, #tpu.memory_space<hbm>>
        %dma_wait3A_264 = tpu.memref_squeeze %dma_wait3A_263 : memref<1x128xi32, #tpu.memory_space<hbm>> -> memref<128xi32, #tpu.memory_space<hbm>>
        %dma_wait3A_265 = arith.constant 0 : i32
        %dma_wait3A_266 = tpu.memref_slice %arg6[%add3A_26, %dma_wait3A_265] : memref<2528x128xi32, #tpu.memory_space<hbm>> -> memref<1x128xi32, #tpu.memory_space<hbm>>
        %dma_wait3A_267 = tpu.memref_squeeze %dma_wait3A_266 : memref<1x128xi32, #tpu.memory_space<hbm>> -> memref<128xi32, #tpu.memory_space<hbm>>
        tpu.wait_dma2 semaphore(%run_scoped3A : memref<!tpu.dma_semaphore, #tpu.memory_space<semaphore_mem>>) src(%dma_wait3A_267 : memref<128xi32, #tpu.memory_space<hbm>>) dst(%arg9 : memref<128xi32, #tpu.memory_space<vmem>>)
        tpu.yield
      }) : () -> ()
      "tpu.region"() ({
        %run_scoped3A = tpu.sem_alloc : memref<!tpu.dma_semaphore, #tpu.memory_space<semaphore_mem>>
        %dma_start3A_256 = arith.constant 0 : i32
        %dma_start3A_257 = arith.constant 0 : i32
        %dma_start3A_258 = tpu.memref_slice %arg4[%add3A_26, %dma_start3A_256, %dma_start3A_257] : memref<2528x3x128xi32, #tpu.memory_space<hbm>> -> memref<1x3x128xi32, #tpu.memory_space<hbm>>
        %dma_start3A_259 = tpu.memref_squeeze %dma_start3A_258 : memref<1x3x128xi32, #tpu.memory_space<hbm>> -> memref<3x128xi32, #tpu.memory_space<hbm>>
        %dma_start3A_260 = arith.constant 0 : i32
        %dma_start3A_261 = arith.constant 0 : i32
        %dma_start3A_262 = tpu.memref_slice %arg4[%add3A_26, %dma_start3A_260, %dma_start3A_261] : memref<2528x3x128xi32, #tpu.memory_space<hbm>> -> memref<1x3x128xi32, #tpu.memory_space<hbm>>
        %dma_start3A_263 = tpu.memref_squeeze %dma_start3A_262 : memref<1x3x128xi32, #tpu.memory_space<hbm>> -> memref<3x128xi32, #tpu.memory_space<hbm>>
        tpu.enqueue_dma source(%dma_start3A_263 : memref<3x128xi32, #tpu.memory_space<hbm>>) target(%arg10 : memref<3x128xi32, #tpu.memory_space<vmem>>) target_semaphore(%run_scoped3A : memref<!tpu.dma_semaphore, #tpu.memory_space<semaphore_mem>>)
        %dma_wait3A_264 = arith.constant 0 : i32
        %dma_wait3A_265 = arith.constant 0 : i32
        %dma_wait3A_266 = tpu.memref_slice %arg4[%add3A_26, %dma_wait3A_264, %dma_wait3A_265] : memref<2528x3x128xi32, #tpu.memory_space<hbm>> -> memref<1x3x128xi32, #tpu.memory_space<hbm>>
        %dma_wait3A_267 = tpu.memref_squeeze %dma_wait3A_266 : memref<1x3x128xi32, #tpu.memory_space<hbm>> -> memref<3x128xi32, #tpu.memory_space<hbm>>
        %dma_wait3A_268 = arith.constant 0 : i32
        %dma_wait3A_269 = arith.constant 0 : i32
        %dma_wait3A_270 = tpu.memref_slice %arg4[%add3A_26, %dma_wait3A_268, %dma_wait3A_269] : memref<2528x3x128xi32, #tpu.memory_space<hbm>> -> memref<1x3x128xi32, #tpu.memory_space<hbm>>
        %dma_wait3A_271 = tpu.memref_squeeze %dma_wait3A_270 : memref<1x3x128xi32, #tpu.memory_space<hbm>> -> memref<3x128xi32, #tpu.memory_space<hbm>>
        tpu.wait_dma2 semaphore(%run_scoped3A : memref<!tpu.dma_semaphore, #tpu.memory_space<semaphore_mem>>) src(%dma_wait3A_271 : memref<3x128xi32, #tpu.memory_space<hbm>>) dst(%arg10 : memref<3x128xi32, #tpu.memory_space<vmem>>)
        tpu.yield
      }) : () -> ()
      %get3A = arith.constant 0 : i32
      %get3A_27 = arith.index_cast %get3A : i32 to index
      %get3A_28 = arith.constant 0 : index
      %get3A_29 = tpu.vector_load %arg10[%get3A_27, %get3A_28] {strides = array<i32>} : memref<3x128xi32, #tpu.memory_space<vmem>>, vector<1x16xi32>,
      %get3A_30 = vector.shape_cast %get3A_29 : vector<1x16xi32> to vector<16xi32>
      %mul3A_31 = arith.constant 12 : i32
      %mul3A_32 = vector.broadcast %mul3A_31 : i32 to vector<16xi32>
      %mul3A_33 = arith.muli %get3A_30, %mul3A_32 : vector<16xi32>
      %get3A_34 = arith.constant 1 : i32
      %get3A_35 = arith.index_cast %get3A_34 : i32 to index
      %get3A_36 = arith.constant 0 : index
      %get3A_37 = tpu.vector_load %arg10[%get3A_35, %get3A_36] {strides = array<i32>} : memref<3x128xi32, #tpu.memory_space<vmem>>, vector<1x16xi32>,
      %get3A_38 = vector.shape_cast %get3A_37 : vector<1x16xi32> to vector<16xi32>
      %mul3A_39 = arith.constant 2 : i32
      %mul3A_40 = vector.broadcast %mul3A_39 : i32 to vector<16xi32>
      %mul3A_41 = arith.muli %get3A_38, %mul3A_40 : vector<16xi32>
      %add3A_42 = arith.addi %mul3A_33, %mul3A_41 : vector<16xi32>
      %get3A_43 = arith.constant 2 : i32
      %get3A_44 = arith.index_cast %get3A_43 : i32 to index
      %get3A_45 = arith.constant 0 : index
      %get3A_46 = tpu.vector_load %arg10[%get3A_44, %get3A_45] {strides = array<i32>} : memref<3x128xi32, #tpu.memory_space<vmem>>, vector<1x16xi32>,
      %get3A_47 = vector.shape_cast %get3A_46 : vector<1x16xi32> to vector<16xi32>
      %add3A_48 = arith.addi %add3A_42, %get3A_47 : vector<16xi32>
      %swap3A = arith.constant 0 : index
      %swap3A_49 = tpu.vector_load %arg11[%swap3A] {strides = array<i32>} : memref<128xi32, #tpu.memory_space<vmem>>, vector<16xi32>,
      %swap3A_50 = vector.shape_cast %swap3A_49 : vector<16xi32> to vector<16xi32>
      %swap3A_51 = vector.shape_cast %add3A_48 : vector<16xi32> to vector<16xi32>
      tpu.vector_store %arg11[%swap3A], %swap3A_51 {strides = array<i32>} : memref<128xi32, #tpu.memory_space<vmem>>, vector<16xi32>,
      %get3A_52 = arith.constant 0 : i32
      %get3A_53 = arith.index_cast %get3A_52 : i32 to index
      %get3A_54 = arith.constant 16 : index
      %get3A_55 = tpu.vector_load %arg10[%get3A_53, %get3A_54] {strides = array<i32>} : memref<3x128xi32, #tpu.memory_space<vmem>>, vector<1x16xi32>,
      %get3A_56 = vector.shape_cast %get3A_55 : vector<1x16xi32> to vector<16xi32>
      %mul3A_57 = arith.constant 12 : i32
      %mul3A_58 = vector.broadcast %mul3A_57 : i32 to vector<16xi32>
      %mul3A_59 = arith.muli %get3A_56, %mul3A_58 : vector<16xi32>
      %get3A_60 = arith.constant 1 : i32
      %get3A_61 = arith.index_cast %get3A_60 : i32 to index
      %get3A_62 = arith.constant 16 : index
      %get3A_63 = tpu.vector_load %arg10[%get3A_61, %get3A_62] {strides = array<i32>} : memref<3x128xi32, #tpu.memory_space<vmem>>, vector<1x16xi32>,
      %get3A_64 = vector.shape_cast %get3A_63 : vector<1x16xi32> to vector<16xi32>
      %mul3A_65 = arith.constant 2 : i32
      %mul3A_66 = vector.broadcast %mul3A_65 : i32 to vector<16xi32>
      %mul3A_67 = arith.muli %get3A_64, %mul3A_66 : vector<16xi32>
      %add3A_68 = arith.addi %mul3A_59, %mul3A_67 : vector<16xi32>
      %get3A_69 = arith.constant 2 : i32
      %get3A_70 = arith.index_cast %get3A_69 : i32 to index
      %get3A_71 = arith.constant 16 : index
      %get3A_72 = tpu.vector_load %arg10[%get3A_70, %get3A_71] {strides = array<i32>} : memref<3x128xi32, #tpu.memory_space<vmem>>, vector<1x16xi32>,
      %get3A_73 = vector.shape_cast %get3A_72 : vector<1x16xi32> to vector<16xi32>
      %add3A_74 = arith.addi %add3A_68, %get3A_73 : vector<16xi32>
      %swap3A_75 = arith.constant 16 : index
      %swap3A_76 = tpu.vector_load %arg11[%swap3A_75] {strides = array<i32>} : memref<128xi32, #tpu.memory_space<vmem>>, vector<16xi32>,
      %swap3A_77 = vector.shape_cast %swap3A_76 : vector<16xi32> to vector<16xi32>
      %swap3A_78 = vector.shape_cast %add3A_74 : vector<16xi32> to vector<16xi32>
      tpu.vector_store %arg11[%swap3A_75], %swap3A_78 {strides = array<i32>} : memref<128xi32, #tpu.memory_space<vmem>>, vector<16xi32>,
      %get3A_79 = arith.constant 0 : i32
      %get3A_80 = arith.index_cast %get3A_79 : i32 to index
      %get3A_81 = arith.constant 32 : index
      %get3A_82 = tpu.vector_load %arg10[%get3A_80, %get3A_81] {strides = array<i32>} : memref<3x128xi32, #tpu.memory_space<vmem>>, vector<1x16xi32>,
      %get3A_83 = vector.shape_cast %get3A_82 : vector<1x16xi32> to vector<16xi32>
      %mul3A_84 = arith.constant 12 : i32
      %mul3A_85 = vector.broadcast %mul3A_84 : i32 to vector<16xi32>
      %mul3A_86 = arith.muli %get3A_83, %mul3A_85 : vector<16xi32>
      %get3A_87 = arith.constant 1 : i32
      %get3A_88 = arith.index_cast %get3A_87 : i32 to index
      %get3A_89 = arith.constant 32 : index
      %get3A_90 = tpu.vector_load %arg10[%get3A_88, %get3A_89] {strides = array<i32>} : memref<3x128xi32, #tpu.memory_space<vmem>>, vector<1x16xi32>,
      %get3A_91 = vector.shape_cast %get3A_90 : vector<1x16xi32> to vector<16xi32>
      %mul3A_92 = arith.constant 2 : i32
      %mul3A_93 = vector.broadcast %mul3A_92 : i32 to vector<16xi32>
      %mul3A_94 = arith.muli %get3A_91, %mul3A_93 : vector<16xi32>
      %add3A_95 = arith.addi %mul3A_86, %mul3A_94 : vector<16xi32>
      %get3A_96 = arith.constant 2 : i32
      %get3A_97 = arith.index_cast %get3A_96 : i32 to index
      %get3A_98 = arith.constant 32 : index
      %get3A_99 = tpu.vector_load %arg10[%get3A_97, %get3A_98] {strides = array<i32>} : memref<3x128xi32, #tpu.memory_space<vmem>>, vector<1x16xi32>,
      %get3A_100 = vector.shape_cast %get3A_99 : vector<1x16xi32> to vector<16xi32>
      %add3A_101 = arith.addi %add3A_95, %get3A_100 : vector<16xi32>
      %swap3A_102 = arith.constant 32 : index
      %swap3A_103 = tpu.vector_load %arg11[%swap3A_102] {strides = array<i32>} : memref<128xi32, #tpu.memory_space<vmem>>, vector<16xi32>,
      %swap3A_104 = vector.shape_cast %swap3A_103 : vector<16xi32> to vector<16xi32>
      %swap3A_105 = vector.shape_cast %add3A_101 : vector<16xi32> to vector<16xi32>
      tpu.vector_store %arg11[%swap3A_102], %swap3A_105 {strides = array<i32>} : memref<128xi32, #tpu.memory_space<vmem>>, vector<16xi32>,
      %get3A_106 = arith.constant 0 : i32
      %get3A_107 = arith.index_cast %get3A_106 : i32 to index
      %get3A_108 = arith.constant 48 : index
      %get3A_109 = tpu.vector_load %arg10[%get3A_107, %get3A_108] {strides = array<i32>} : memref<3x128xi32, #tpu.memory_space<vmem>>, vector<1x16xi32>,
      %get3A_110 = vector.shape_cast %get3A_109 : vector<1x16xi32> to vector<16xi32>
      %mul3A_111 = arith.constant 12 : i32
      %mul3A_112 = vector.broadcast %mul3A_111 : i32 to vector<16xi32>
      %mul3A_113 = arith.muli %get3A_110, %mul3A_112 : vector<16xi32>
      %get3A_114 = arith.constant 1 : i32
      %get3A_115 = arith.index_cast %get3A_114 : i32 to index
      %get3A_116 = arith.constant 48 : index
      %get3A_117 = tpu.vector_load %arg10[%get3A_115, %get3A_116] {strides = array<i32>} : memref<3x128xi32, #tpu.memory_space<vmem>>, vector<1x16xi32>,
      %get3A_118 = vector.shape_cast %get3A_117 : vector<1x16xi32> to vector<16xi32>
      %mul3A_119 = arith.constant 2 : i32
      %mul3A_120 = vector.broadcast %mul3A_119 : i32 to vector<16xi32>
      %mul3A_121 = arith.muli %get3A_118, %mul3A_120 : vector<16xi32>
      %add3A_122 = arith.addi %mul3A_113, %mul3A_121 : vector<16xi32>
      %get3A_123 = arith.constant 2 : i32
      %get3A_124 = arith.index_cast %get3A_123 : i32 to index
      %get3A_125 = arith.constant 48 : index
      %get3A_126 = tpu.vector_load %arg10[%get3A_124, %get3A_125] {strides = array<i32>} : memref<3x128xi32, #tpu.memory_space<vmem>>, vector<1x16xi32>,
      %get3A_127 = vector.shape_cast %get3A_126 : vector<1x16xi32> to vector<16xi32>
      %add3A_128 = arith.addi %add3A_122, %get3A_127 : vector<16xi32>
      %swap3A_129 = arith.constant 48 : index
      %swap3A_130 = tpu.vector_load %arg11[%swap3A_129] {strides = array<i32>} : memref<128xi32, #tpu.memory_space<vmem>>, vector<16xi32>,
      %swap3A_131 = vector.shape_cast %swap3A_130 : vector<16xi32> to vector<16xi32>
      %swap3A_132 = vector.shape_cast %add3A_128 : vector<16xi32> to vector<16xi32>
      tpu.vector_store %arg11[%swap3A_129], %swap3A_132 {strides = array<i32>} : memref<128xi32, #tpu.memory_space<vmem>>, vector<16xi32>,
      %get3A_133 = arith.constant 0 : i32
      %get3A_134 = arith.index_cast %get3A_133 : i32 to index
      %get3A_135 = arith.constant 64 : index
      %get3A_136 = tpu.vector_load %arg10[%get3A_134, %get3A_135] {strides = array<i32>} : memref<3x128xi32, #tpu.memory_space<vmem>>, vector<1x16xi32>,
      %get3A_137 = vector.shape_cast %get3A_136 : vector<1x16xi32> to vector<16xi32>
      %mul3A_138 = arith.constant 12 : i32
      %mul3A_139 = vector.broadcast %mul3A_138 : i32 to vector<16xi32>
      %mul3A_140 = arith.muli %get3A_137, %mul3A_139 : vector<16xi32>
      %get3A_141 = arith.constant 1 : i32
      %get3A_142 = arith.index_cast %get3A_141 : i32 to index
      %get3A_143 = arith.constant 64 : index
      %get3A_144 = tpu.vector_load %arg10[%get3A_142, %get3A_143] {strides = array<i32>} : memref<3x128xi32, #tpu.memory_space<vmem>>, vector<1x16xi32>,
      %get3A_145 = vector.shape_cast %get3A_144 : vector<1x16xi32> to vector<16xi32>
      %mul3A_146 = arith.constant 2 : i32
      %mul3A_147 = vector.broadcast %mul3A_146 : i32 to vector<16xi32>
      %mul3A_148 = arith.muli %get3A_145, %mul3A_147 : vector<16xi32>
      %add3A_149 = arith.addi %mul3A_140, %mul3A_148 : vector<16xi32>
      %get3A_150 = arith.constant 2 : i32
      %get3A_151 = arith.index_cast %get3A_150 : i32 to index
      %get3A_152 = arith.constant 64 : index
      %get3A_153 = tpu.vector_load %arg10[%get3A_151, %get3A_152] {strides = array<i32>} : memref<3x128xi32, #tpu.memory_space<vmem>>, vector<1x16xi32>,
      %get3A_154 = vector.shape_cast %get3A_153 : vector<1x16xi32> to vector<16xi32>
      %add3A_155 = arith.addi %add3A_149, %get3A_154 : vector<16xi32>
      %swap3A_156 = arith.constant 64 : index
      %swap3A_157 = tpu.vector_load %arg11[%swap3A_156] {strides = array<i32>} : memref<128xi32, #tpu.memory_space<vmem>>, vector<16xi32>,
      %swap3A_158 = vector.shape_cast %swap3A_157 : vector<16xi32> to vector<16xi32>
      %swap3A_159 = vector.shape_cast %add3A_155 : vector<16xi32> to vector<16xi32>
      tpu.vector_store %arg11[%swap3A_156], %swap3A_159 {strides = array<i32>} : memref<128xi32, #tpu.memory_space<vmem>>, vector<16xi32>,
      %get3A_160 = arith.constant 0 : i32
      %get3A_161 = arith.index_cast %get3A_160 : i32 to index
      %get3A_162 = arith.constant 80 : index
      %get3A_163 = tpu.vector_load %arg10[%get3A_161, %get3A_162] {strides = array<i32>} : memref<3x128xi32, #tpu.memory_space<vmem>>, vector<1x16xi32>,
      %get3A_164 = vector.shape_cast %get3A_163 : vector<1x16xi32> to vector<16xi32>
      %mul3A_165 = arith.constant 12 : i32
      %mul3A_166 = vector.broadcast %mul3A_165 : i32 to vector<16xi32>
      %mul3A_167 = arith.muli %get3A_164, %mul3A_166 : vector<16xi32>
      %get3A_168 = arith.constant 1 : i32
      %get3A_169 = arith.index_cast %get3A_168 : i32 to index
      %get3A_170 = arith.constant 80 : index
      %get3A_171 = tpu.vector_load %arg10[%get3A_169, %get3A_170] {strides = array<i32>} : memref<3x128xi32, #tpu.memory_space<vmem>>, vector<1x16xi32>,
      %get3A_172 = vector.shape_cast %get3A_171 : vector<1x16xi32> to vector<16xi32>
      %mul3A_173 = arith.constant 2 : i32
      %mul3A_174 = vector.broadcast %mul3A_173 : i32 to vector<16xi32>
      %mul3A_175 = arith.muli %get3A_172, %mul3A_174 : vector<16xi32>
      %add3A_176 = arith.addi %mul3A_167, %mul3A_175 : vector<16xi32>
      %get3A_177 = arith.constant 2 : i32
      %get3A_178 = arith.index_cast %get3A_177 : i32 to index
      %get3A_179 = arith.constant 80 : index
      %get3A_180 = tpu.vector_load %arg10[%get3A_178, %get3A_179] {strides = array<i32>} : memref<3x128xi32, #tpu.memory_space<vmem>>, vector<1x16xi32>,
      %get3A_181 = vector.shape_cast %get3A_180 : vector<1x16xi32> to vector<16xi32>
      %add3A_182 = arith.addi %add3A_176, %get3A_181 : vector<16xi32>
      %swap3A_183 = arith.constant 80 : index
      %swap3A_184 = tpu.vector_load %arg11[%swap3A_183] {strides = array<i32>} : memref<128xi32, #tpu.memory_space<vmem>>, vector<16xi32>,
      %swap3A_185 = vector.shape_cast %swap3A_184 : vector<16xi32> to vector<16xi32>
      %swap3A_186 = vector.shape_cast %add3A_182 : vector<16xi32> to vector<16xi32>
      tpu.vector_store %arg11[%swap3A_183], %swap3A_186 {strides = array<i32>} : memref<128xi32, #tpu.memory_space<vmem>>, vector<16xi32>,
      %get3A_187 = arith.constant 0 : i32
      %get3A_188 = arith.index_cast %get3A_187 : i32 to index
      %get3A_189 = arith.constant 96 : index
      %get3A_190 = tpu.vector_load %arg10[%get3A_188, %get3A_189] {strides = array<i32>} : memref<3x128xi32, #tpu.memory_space<vmem>>, vector<1x16xi32>,
      %get3A_191 = vector.shape_cast %get3A_190 : vector<1x16xi32> to vector<16xi32>
      %mul3A_192 = arith.constant 12 : i32
      %mul3A_193 = vector.broadcast %mul3A_192 : i32 to vector<16xi32>
      %mul3A_194 = arith.muli %get3A_191, %mul3A_193 : vector<16xi32>
      %get3A_195 = arith.constant 1 : i32
      %get3A_196 = arith.index_cast %get3A_195 : i32 to index
      %get3A_197 = arith.constant 96 : index
      %get3A_198 = tpu.vector_load %arg10[%get3A_196, %get3A_197] {strides = array<i32>} : memref<3x128xi32, #tpu.memory_space<vmem>>, vector<1x16xi32>,
      %get3A_199 = vector.shape_cast %get3A_198 : vector<1x16xi32> to vector<16xi32>
      %mul3A_200 = arith.constant 2 : i32
      %mul3A_201 = vector.broadcast %mul3A_200 : i32 to vector<16xi32>
      %mul3A_202 = arith.muli %get3A_199, %mul3A_201 : vector<16xi32>
      %add3A_203 = arith.addi %mul3A_194, %mul3A_202 : vector<16xi32>
      %get3A_204 = arith.constant 2 : i32
      %get3A_205 = arith.index_cast %get3A_204 : i32 to index
      %get3A_206 = arith.constant 96 : index
      %get3A_207 = tpu.vector_load %arg10[%get3A_205, %get3A_206] {strides = array<i32>} : memref<3x128xi32, #tpu.memory_space<vmem>>, vector<1x16xi32>,
      %get3A_208 = vector.shape_cast %get3A_207 : vector<1x16xi32> to vector<16xi32>
      %add3A_209 = arith.addi %add3A_203, %get3A_208 : vector<16xi32>
      %swap3A_210 = arith.constant 96 : index
      %swap3A_211 = tpu.vector_load %arg11[%swap3A_210] {strides = array<i32>} : memref<128xi32, #tpu.memory_space<vmem>>, vector<16xi32>,
      %swap3A_212 = vector.shape_cast %swap3A_211 : vector<16xi32> to vector<16xi32>
      %swap3A_213 = vector.shape_cast %add3A_209 : vector<16xi32> to vector<16xi32>
      tpu.vector_store %arg11[%swap3A_210], %swap3A_213 {strides = array<i32>} : memref<128xi32, #tpu.memory_space<vmem>>, vector<16xi32>,
      %get3A_214 = arith.constant 0 : i32
      %get3A_215 = arith.index_cast %get3A_214 : i32 to index
      %get3A_216 = arith.constant 112 : index
      %get3A_217 = tpu.vector_load %arg10[%get3A_215, %get3A_216] {strides = array<i32>} : memref<3x128xi32, #tpu.memory_space<vmem>>, vector<1x16xi32>,
      %get3A_218 = vector.shape_cast %get3A_217 : vector<1x16xi32> to vector<16xi32>
      %mul3A_219 = arith.constant 12 : i32
      %mul3A_220 = vector.broadcast %mul3A_219 : i32 to vector<16xi32>
      %mul3A_221 = arith.muli %get3A_218, %mul3A_220 : vector<16xi32>
      %get3A_222 = arith.constant 1 : i32
      %get3A_223 = arith.index_cast %get3A_222 : i32 to index
      %get3A_224 = arith.constant 112 : index
      %get3A_225 = tpu.vector_load %arg10[%get3A_223, %get3A_224] {strides = array<i32>} : memref<3x128xi32, #tpu.memory_space<vmem>>, vector<1x16xi32>,
      %get3A_226 = vector.shape_cast %get3A_225 : vector<1x16xi32> to vector<16xi32>
      %mul3A_227 = arith.constant 2 : i32
      %mul3A_228 = vector.broadcast %mul3A_227 : i32 to vector<16xi32>
      %mul3A_229 = arith.muli %get3A_226, %mul3A_228 : vector<16xi32>
      %add3A_230 = arith.addi %mul3A_221, %mul3A_229 : vector<16xi32>
      %get3A_231 = arith.constant 2 : i32
      %get3A_232 = arith.index_cast %get3A_231 : i32 to index
      %get3A_233 = arith.constant 112 : index
      %get3A_234 = tpu.vector_load %arg10[%get3A_232, %get3A_233] {strides = array<i32>} : memref<3x128xi32, #tpu.memory_space<vmem>>, vector<1x16xi32>,
      %get3A_235 = vector.shape_cast %get3A_234 : vector<1x16xi32> to vector<16xi32>
      %add3A_236 = arith.addi %add3A_230, %get3A_235 : vector<16xi32>
      %swap3A_237 = arith.constant 112 : index
      %swap3A_238 = tpu.vector_load %arg11[%swap3A_237] {strides = array<i32>} : memref<128xi32, #tpu.memory_space<vmem>>, vector<16xi32>,
      %swap3A_239 = vector.shape_cast %swap3A_238 : vector<16xi32> to vector<16xi32>
      %swap3A_240 = vector.shape_cast %add3A_236 : vector<16xi32> to vector<16xi32>
      tpu.vector_store %arg11[%swap3A_237], %swap3A_240 {strides = array<i32>} : memref<128xi32, #tpu.memory_space<vmem>>, vector<16xi32>,
      %dma_start3A = arith.constant 0 : i32
      %dma_start3A_241 = arith.constant 0 : i32
      %dma_start3A_242 = tpu.memref_slice %arg3[%dma_start3A, %dma_start3A_241] : memref<60x128xf32, #tpu.memory_space<hbm>> -> memref<60x128xf32, #tpu.memory_space<hbm>>
      tpu.enqueue_indirect_dma source(%dma_start3A_242 : memref<60x128xf32, #tpu.memory_space<hbm>>) target(%arg13 : memref<128x128xf32, #tpu.memory_space<vmem>>) offsets(%arg11 : memref<128xi32, #tpu.memory_space<vmem>>) semaphore(%arg14 : memref<!tpu.dma_semaphore, #tpu.memory_space<semaphore_mem>>)
      %dma_start3A_243 = arith.constant 0 : i32
      %dma_start3A_244 = arith.constant 0 : i32
      %dma_start3A_245 = tpu.memref_slice %arg2[%dma_start3A_243, %dma_start3A_244] : memref<10000x128xf32, #tpu.memory_space<hbm>> -> memref<10000x128xf32, #tpu.memory_space<hbm>>
      tpu.enqueue_indirect_dma source(%dma_start3A_245 : memref<10000x128xf32, #tpu.memory_space<hbm>>) target(%arg12 : memref<128x128xf32, #tpu.memory_space<vmem>>) offsets(%arg8 : memref<128xi32, #tpu.memory_space<vmem>>) semaphore(%arg15 : memref<!tpu.dma_semaphore, #tpu.memory_space<semaphore_mem>>)
      %dma_wait3A = arith.constant 0 : i32
      %dma_wait3A_246 = arith.constant 0 : i32
      %dma_wait3A_247 = tpu.memref_slice %arg3[%dma_wait3A, %dma_wait3A_246] : memref<60x128xf32, #tpu.memory_space<hbm>> -> memref<60x128xf32, #tpu.memory_space<hbm>>
      tpu.wait_indirect_dma semaphore(%arg14 : memref<!tpu.dma_semaphore, #tpu.memory_space<semaphore_mem>>) src(%dma_wait3A_247 : memref<60x128xf32, #tpu.memory_space<hbm>>) dst(%arg13 : memref<128x128xf32, #tpu.memory_space<vmem>>)
      %dma_wait3A_248 = arith.constant 0 : i32
      %dma_wait3A_249 = arith.constant 0 : i32
      %dma_wait3A_250 = tpu.memref_slice %arg2[%dma_wait3A_248, %dma_wait3A_249] : memref<10000x128xf32, #tpu.memory_space<hbm>> -> memref<10000x128xf32, #tpu.memory_space<hbm>>
      tpu.wait_indirect_dma semaphore(%arg15 : memref<!tpu.dma_semaphore, #tpu.memory_space<semaphore_mem>>) src(%dma_wait3A_250 : memref<10000x128xf32, #tpu.memory_space<hbm>>) dst(%arg12 : memref<128x128xf32, #tpu.memory_space<vmem>>)
      %scan3A_251 = arith.constant 0 : i32
      %scan3A_252 = arith.constant 128 : i32
      %scan3A_253 = arith.addi %scan3A_251, %scan3A_252 : i32
      %scan3A_254 = arith.constant 1 : i32
      scf.for %scan3A_256 = %scan3A_251 to %scan3A_253 step %scan3A_254  : i32 {
        %get3A_257 = arith.index_cast %scan3A_256 : i32 to index
        %get3A_258 = arith.constant 0 : index
        %get3A_259 = tpu.vector_load %arg12[%get3A_257, %get3A_258] {strides = array<i32>} : memref<128x128xf32, #tpu.memory_space<vmem>>, vector<1x16xf32>,
        %get3A_260 = vector.shape_cast %get3A_259 : vector<1x16xf32> to vector<16xf32>
        %get3A_261 = arith.index_cast %scan3A_256 : i32 to index
        %get3A_262 = arith.constant 0 : index
        %get3A_263 = tpu.vector_load %arg13[%get3A_261, %get3A_262] {strides = array<i32>} : memref<128x128xf32, #tpu.memory_space<vmem>>, vector<1x16xf32>,
        %get3A_264 = vector.shape_cast %get3A_263 : vector<1x16xf32> to vector<16xf32>
        %add3A_265 = arith.addf %get3A_260, %get3A_264 : vector<16xf32>
        %max3A = arith.constant 0.000000e+00 : f32
        %max3A_266 = vector.broadcast %max3A : f32 to vector<16xf32>
        %max3A_267 = arith.maximumf %add3A_265, %max3A_266 : vector<16xf32>
        %swap3A_268 = arith.index_cast %scan3A_256 : i32 to index
        %swap3A_269 = arith.constant 0 : index
        %swap3A_270 = tpu.vector_load %arg12[%swap3A_268, %swap3A_269] {strides = array<i32>} : memref<128x128xf32, #tpu.memory_space<vmem>>, vector<1x16xf32>,
        %swap3A_271 = vector.shape_cast %swap3A_270 : vector<1x16xf32> to vector<16xf32>
        %swap3A_272 = vector.shape_cast %max3A_267 : vector<16xf32> to vector<1x16xf32>
        tpu.vector_store %arg12[%swap3A_268, %swap3A_269], %swap3A_272 {strides = array<i32>} : memref<128x128xf32, #tpu.memory_space<vmem>>, vector<1x16xf32>,
        %get3A_273 = arith.index_cast %scan3A_256 : i32 to index
        %get3A_274 = arith.constant 16 : index
        %get3A_275 = tpu.vector_load %arg12[%get3A_273, %get3A_274] {strides = array<i32>} : memref<128x128xf32, #tpu.memory_space<vmem>>, vector<1x16xf32>,
        %get3A_276 = vector.shape_cast %get3A_275 : vector<1x16xf32> to vector<16xf32>
        %get3A_277 = arith.index_cast %scan3A_256 : i32 to index
        %get3A_278 = arith.constant 16 : index
        %get3A_279 = tpu.vector_load %arg13[%get3A_277, %get3A_278] {strides = array<i32>} : memref<128x128xf32, #tpu.memory_space<vmem>>, vector<1x16xf32>,
        %get3A_280 = vector.shape_cast %get3A_279 : vector<1x16xf32> to vector<16xf32>
        %add3A_281 = arith.addf %get3A_276, %get3A_280 : vector<16xf32>
        %max3A_282 = arith.constant 0.000000e+00 : f32
        %max3A_283 = vector.broadcast %max3A_282 : f32 to vector<16xf32>
        %max3A_284 = arith.maximumf %add3A_281, %max3A_283 : vector<16xf32>
        %swap3A_285 = arith.index_cast %scan3A_256 : i32 to index
        %swap3A_286 = arith.constant 16 : index
        %swap3A_287 = tpu.vector_load %arg12[%swap3A_285, %swap3A_286] {strides = array<i32>} : memref<128x128xf32, #tpu.memory_space<vmem>>, vector<1x16xf32>,
        %swap3A_288 = vector.shape_cast %swap3A_287 : vector<1x16xf32> to vector<16xf32>
        %swap3A_289 = vector.shape_cast %max3A_284 : vector<16xf32> to vector<1x16xf32>
        tpu.vector_store %arg12[%swap3A_285, %swap3A_286], %swap3A_289 {strides = array<i32>} : memref<128x128xf32, #tpu.memory_space<vmem>>, vector<1x16xf32>,
        %get3A_290 = arith.index_cast %scan3A_256 : i32 to index
        %get3A_291 = arith.constant 32 : index
        %get3A_292 = tpu.vector_load %arg12[%get3A_290, %get3A_291] {strides = array<i32>} : memref<128x128xf32, #tpu.memory_space<vmem>>, vector<1x16xf32>,
        %get3A_293 = vector.shape_cast %get3A_292 : vector<1x16xf32> to vector<16xf32>
        %get3A_294 = arith.index_cast %scan3A_256 : i32 to index
        %get3A_295 = arith.constant 32 : index
        %get3A_296 = tpu.vector_load %arg13[%get3A_294, %get3A_295] {strides = array<i32>} : memref<128x128xf32, #tpu.memory_space<vmem>>, vector<1x16xf32>,
        %get3A_297 = vector.shape_cast %get3A_296 : vector<1x16xf32> to vector<16xf32>
        %add3A_298 = arith.addf %get3A_293, %get3A_297 : vector<16xf32>
        %max3A_299 = arith.constant 0.000000e+00 : f32
        %max3A_300 = vector.broadcast %max3A_299 : f32 to vector<16xf32>
        %max3A_301 = arith.maximumf %add3A_298, %max3A_300 : vector<16xf32>
        %swap3A_302 = arith.index_cast %scan3A_256 : i32 to index
        %swap3A_303 = arith.constant 32 : index
        %swap3A_304 = tpu.vector_load %arg12[%swap3A_302, %swap3A_303] {strides = array<i32>} : memref<128x128xf32, #tpu.memory_space<vmem>>, vector<1x16xf32>,
        %swap3A_305 = vector.shape_cast %swap3A_304 : vector<1x16xf32> to vector<16xf32>
        %swap3A_306 = vector.shape_cast %max3A_301 : vector<16xf32> to vector<1x16xf32>
        tpu.vector_store %arg12[%swap3A_302, %swap3A_303], %swap3A_306 {strides = array<i32>} : memref<128x128xf32, #tpu.memory_space<vmem>>, vector<1x16xf32>,
        %get3A_307 = arith.index_cast %scan3A_256 : i32 to index
        %get3A_308 = arith.constant 48 : index
        %get3A_309 = tpu.vector_load %arg12[%get3A_307, %get3A_308] {strides = array<i32>} : memref<128x128xf32, #tpu.memory_space<vmem>>, vector<1x16xf32>,
        %get3A_310 = vector.shape_cast %get3A_309 : vector<1x16xf32> to vector<16xf32>
        %get3A_311 = arith.index_cast %scan3A_256 : i32 to index
        %get3A_312 = arith.constant 48 : index
        %get3A_313 = tpu.vector_load %arg13[%get3A_311, %get3A_312] {strides = array<i32>} : memref<128x128xf32, #tpu.memory_space<vmem>>, vector<1x16xf32>,
        %get3A_314 = vector.shape_cast %get3A_313 : vector<1x16xf32> to vector<16xf32>
        %add3A_315 = arith.addf %get3A_310, %get3A_314 : vector<16xf32>
        %max3A_316 = arith.constant 0.000000e+00 : f32
        %max3A_317 = vector.broadcast %max3A_316 : f32 to vector<16xf32>
        %max3A_318 = arith.maximumf %add3A_315, %max3A_317 : vector<16xf32>
        %swap3A_319 = arith.index_cast %scan3A_256 : i32 to index
        %swap3A_320 = arith.constant 48 : index
        %swap3A_321 = tpu.vector_load %arg12[%swap3A_319, %swap3A_320] {strides = array<i32>} : memref<128x128xf32, #tpu.memory_space<vmem>>, vector<1x16xf32>,
        %swap3A_322 = vector.shape_cast %swap3A_321 : vector<1x16xf32> to vector<16xf32>
        %swap3A_323 = vector.shape_cast %max3A_318 : vector<16xf32> to vector<1x16xf32>
        tpu.vector_store %arg12[%swap3A_319, %swap3A_320], %swap3A_323 {strides = array<i32>} : memref<128x128xf32, #tpu.memory_space<vmem>>, vector<1x16xf32>,
        %get3A_324 = arith.index_cast %scan3A_256 : i32 to index
        %get3A_325 = arith.constant 64 : index
        %get3A_326 = tpu.vector_load %arg12[%get3A_324, %get3A_325] {strides = array<i32>} : memref<128x128xf32, #tpu.memory_space<vmem>>, vector<1x16xf32>,
        %get3A_327 = vector.shape_cast %get3A_326 : vector<1x16xf32> to vector<16xf32>
        %get3A_328 = arith.index_cast %scan3A_256 : i32 to index
        %get3A_329 = arith.constant 64 : index
        %get3A_330 = tpu.vector_load %arg13[%get3A_328, %get3A_329] {strides = array<i32>} : memref<128x128xf32, #tpu.memory_space<vmem>>, vector<1x16xf32>,
        %get3A_331 = vector.shape_cast %get3A_330 : vector<1x16xf32> to vector<16xf32>
        %add3A_332 = arith.addf %get3A_327, %get3A_331 : vector<16xf32>
        %max3A_333 = arith.constant 0.000000e+00 : f32
        %max3A_334 = vector.broadcast %max3A_333 : f32 to vector<16xf32>
        %max3A_335 = arith.maximumf %add3A_332, %max3A_334 : vector<16xf32>
        %swap3A_336 = arith.index_cast %scan3A_256 : i32 to index
        %swap3A_337 = arith.constant 64 : index
        %swap3A_338 = tpu.vector_load %arg12[%swap3A_336, %swap3A_337] {strides = array<i32>} : memref<128x128xf32, #tpu.memory_space<vmem>>, vector<1x16xf32>,
        %swap3A_339 = vector.shape_cast %swap3A_338 : vector<1x16xf32> to vector<16xf32>
        %swap3A_340 = vector.shape_cast %max3A_335 : vector<16xf32> to vector<1x16xf32>
        tpu.vector_store %arg12[%swap3A_336, %swap3A_337], %swap3A_340 {strides = array<i32>} : memref<128x128xf32, #tpu.memory_space<vmem>>, vector<1x16xf32>,
        %get3A_341 = arith.index_cast %scan3A_256 : i32 to index
        %get3A_342 = arith.constant 80 : index
        %get3A_343 = tpu.vector_load %arg12[%get3A_341, %get3A_342] {strides = array<i32>} : memref<128x128xf32, #tpu.memory_space<vmem>>, vector<1x16xf32>,
        %get3A_344 = vector.shape_cast %get3A_343 : vector<1x16xf32> to vector<16xf32>
        %get3A_345 = arith.index_cast %scan3A_256 : i32 to index
        %get3A_346 = arith.constant 80 : index
        %get3A_347 = tpu.vector_load %arg13[%get3A_345, %get3A_346] {strides = array<i32>} : memref<128x128xf32, #tpu.memory_space<vmem>>, vector<1x16xf32>,
        %get3A_348 = vector.shape_cast %get3A_347 : vector<1x16xf32> to vector<16xf32>
        %add3A_349 = arith.addf %get3A_344, %get3A_348 : vector<16xf32>
        %max3A_350 = arith.constant 0.000000e+00 : f32
        %max3A_351 = vector.broadcast %max3A_350 : f32 to vector<16xf32>
        %max3A_352 = arith.maximumf %add3A_349, %max3A_351 : vector<16xf32>
        %swap3A_353 = arith.index_cast %scan3A_256 : i32 to index
        %swap3A_354 = arith.constant 80 : index
        %swap3A_355 = tpu.vector_load %arg12[%swap3A_353, %swap3A_354] {strides = array<i32>} : memref<128x128xf32, #tpu.memory_space<vmem>>, vector<1x16xf32>,
        %swap3A_356 = vector.shape_cast %swap3A_355 : vector<1x16xf32> to vector<16xf32>
        %swap3A_357 = vector.shape_cast %max3A_352 : vector<16xf32> to vector<1x16xf32>
        tpu.vector_store %arg12[%swap3A_353, %swap3A_354], %swap3A_357 {strides = array<i32>} : memref<128x128xf32, #tpu.memory_space<vmem>>, vector<1x16xf32>,
        %get3A_358 = arith.index_cast %scan3A_256 : i32 to index
        %get3A_359 = arith.constant 96 : index
        %get3A_360 = tpu.vector_load %arg12[%get3A_358, %get3A_359] {strides = array<i32>} : memref<128x128xf32, #tpu.memory_space<vmem>>, vector<1x16xf32>,
        %get3A_361 = vector.shape_cast %get3A_360 : vector<1x16xf32> to vector<16xf32>
        %get3A_362 = arith.index_cast %scan3A_256 : i32 to index
        %get3A_363 = arith.constant 96 : index
        %get3A_364 = tpu.vector_load %arg13[%get3A_362, %get3A_363] {strides = array<i32>} : memref<128x128xf32, #tpu.memory_space<vmem>>, vector<1x16xf32>,
        %get3A_365 = vector.shape_cast %get3A_364 : vector<1x16xf32> to vector<16xf32>
        %add3A_366 = arith.addf %get3A_361, %get3A_365 : vector<16xf32>
        %max3A_367 = arith.constant 0.000000e+00 : f32
        %max3A_368 = vector.broadcast %max3A_367 : f32 to vector<16xf32>
        %max3A_369 = arith.maximumf %add3A_366, %max3A_368 : vector<16xf32>
        %swap3A_370 = arith.index_cast %scan3A_256 : i32 to index
        %swap3A_371 = arith.constant 96 : index
        %swap3A_372 = tpu.vector_load %arg12[%swap3A_370, %swap3A_371] {strides = array<i32>} : memref<128x128xf32, #tpu.memory_space<vmem>>, vector<1x16xf32>,
        %swap3A_373 = vector.shape_cast %swap3A_372 : vector<1x16xf32> to vector<16xf32>
        %swap3A_374 = vector.shape_cast %max3A_369 : vector<16xf32> to vector<1x16xf32>
        tpu.vector_store %arg12[%swap3A_370, %swap3A_371], %swap3A_374 {strides = array<i32>} : memref<128x128xf32, #tpu.memory_space<vmem>>, vector<1x16xf32>,
        %get3A_375 = arith.index_cast %scan3A_256 : i32 to index
        %get3A_376 = arith.constant 112 : index
        %get3A_377 = tpu.vector_load %arg12[%get3A_375, %get3A_376] {strides = array<i32>} : memref<128x128xf32, #tpu.memory_space<vmem>>, vector<1x16xf32>,
        %get3A_378 = vector.shape_cast %get3A_377 : vector<1x16xf32> to vector<16xf32>
        %get3A_379 = arith.index_cast %scan3A_256 : i32 to index
        %get3A_380 = arith.constant 112 : index
        %get3A_381 = tpu.vector_load %arg13[%get3A_379, %get3A_380] {strides = array<i32>} : memref<128x128xf32, #tpu.memory_space<vmem>>, vector<1x16xf32>,
        %get3A_382 = vector.shape_cast %get3A_381 : vector<1x16xf32> to vector<16xf32>
        %add3A_383 = arith.addf %get3A_378, %get3A_382 : vector<16xf32>
        %max3A_384 = arith.constant 0.000000e+00 : f32
        %max3A_385 = vector.broadcast %max3A_384 : f32 to vector<16xf32>
        %max3A_386 = arith.maximumf %add3A_383, %max3A_385 : vector<16xf32>
        %swap3A_387 = arith.index_cast %scan3A_256 : i32 to index
        %swap3A_388 = arith.constant 112 : index
        %swap3A_389 = tpu.vector_load %arg12[%swap3A_387, %swap3A_388] {strides = array<i32>} : memref<128x128xf32, #tpu.memory_space<vmem>>, vector<1x16xf32>,
        %swap3A_390 = vector.shape_cast %swap3A_389 : vector<1x16xf32> to vector<16xf32>
        %swap3A_391 = vector.shape_cast %max3A_386 : vector<16xf32> to vector<1x16xf32>
        tpu.vector_store %arg12[%swap3A_387, %swap3A_388], %swap3A_391 {strides = array<i32>} : memref<128x128xf32, #tpu.memory_space<vmem>>, vector<1x16xf32>,
      }
      %scan3A_255 = arith.constant 128 : i32
      "tpu.region"() ({
        %run_scoped3A = tpu.sem_alloc : memref<!tpu.dma_semaphore, #tpu.memory_space<semaphore_mem>>
        %dma_start3A_256 = arith.constant 0 : i32
        %dma_start3A_257 = arith.constant 0 : i32
        %dma_start3A_258 = tpu.memref_slice %arg16[%dma_start3A_256, %dma_start3A_257] : memref<10112x128xf32, #tpu.memory_space<vmem_shared>> -> memref<10112x128xf32, #tpu.memory_space<vmem_shared>>
        tpu.enqueue_indirect_dma source(%arg12 : memref<128x128xf32, #tpu.memory_space<vmem>>) target(%dma_start3A_258 : memref<10112x128xf32, #tpu.memory_space<vmem_shared>>) offsets(%arg9 : memref<128xi32, #tpu.memory_space<vmem>>) semaphore(%run_scoped3A : memref<!tpu.dma_semaphore, #tpu.memory_space<semaphore_mem>>) {add = true}
        %dma_wait3A_259 = arith.constant 0 : i32
        %dma_wait3A_260 = arith.constant 0 : i32
        %dma_wait3A_261 = tpu.memref_slice %arg16[%dma_wait3A_259, %dma_wait3A_260] : memref<10112x128xf32, #tpu.memory_space<vmem_shared>> -> memref<10112x128xf32, #tpu.memory_space<vmem_shared>>
        tpu.wait_indirect_dma semaphore(%run_scoped3A : memref<!tpu.dma_semaphore, #tpu.memory_space<semaphore_mem>>) src(%arg12 : memref<128x128xf32, #tpu.memory_space<vmem>>) dst(%dma_wait3A_261 : memref<10112x128xf32, #tpu.memory_space<vmem_shared>>)
        tpu.yield
      }) : () -> ()
    }
    %scan3A_21 = arith.constant 79 : i32
    %barrier3A_22 = arith.constant 0 : index
    tpu.barrier barrier_id(%barrier3A_22)
    "tpu.region"() ({
      %run_scoped3A = tpu.sem_alloc : memref<!tpu.dma_semaphore, #tpu.memory_space<semaphore_mem>>
      %dma_start3A = arith.constant 0 : i32
      %dma_start3A_23 = tpu.memref_slice %arg7[%arg0, %mul3A_6, %dma_start3A] : memref<2x10112x128xf32, #tpu.memory_space<hbm>> -> memref<1x632x128xf32, #tpu.memory_space<hbm>>
      %dma_start3A_24 = tpu.memref_squeeze %dma_start3A_23 : memref<1x632x128xf32, #tpu.memory_space<hbm>> -> memref<632x128xf32, #tpu.memory_space<hbm>>
      %dma_start3A_25 = arith.constant 0 : i32
      %dma_start3A_26 = tpu.memref_slice %arg16[%mul3A_6, %dma_start3A_25] : memref<10112x128xf32, #tpu.memory_space<vmem_shared>> -> memref<632x128xf32, #tpu.memory_space<vmem_shared>>
      tpu.enqueue_dma source(%dma_start3A_26 : memref<632x128xf32, #tpu.memory_space<vmem_shared>>) target(%dma_start3A_24 : memref<632x128xf32, #tpu.memory_space<hbm>>) target_semaphore(%run_scoped3A : memref<!tpu.dma_semaphore, #tpu.memory_space<semaphore_mem>>)
      %dma_wait3A = arith.constant 0 : i32
      %dma_wait3A_27 = tpu.memref_slice %arg7[%arg0, %mul3A_6, %dma_wait3A] : memref<2x10112x128xf32, #tpu.memory_space<hbm>> -> memref<1x632x128xf32, #tpu.memory_space<hbm>>
      %dma_wait3A_28 = tpu.memref_squeeze %dma_wait3A_27 : memref<1x632x128xf32, #tpu.memory_space<hbm>> -> memref<632x128xf32, #tpu.memory_space<hbm>>
      %dma_wait3A_29 = arith.constant 0 : i32
      %dma_wait3A_30 = tpu.memref_slice %arg16[%mul3A_6, %dma_wait3A_29] : memref<10112x128xf32, #tpu.memory_space<vmem_shared>> -> memref<632x128xf32, #tpu.memory_space<vmem_shared>>
      tpu.wait_dma2 semaphore(%run_scoped3A : memref<!tpu.dma_semaphore, #tpu.memory_space<semaphore_mem>>) src(%dma_wait3A_30 : memref<632x128xf32, #tpu.memory_space<vmem_shared>>) dst(%dma_wait3A_28 : memref<632x128xf32, #tpu.memory_space<hbm>>)
      tpu.yield
    }) : () -> ()
    return
  }
}

module attributes {stable_mosaic.version = 14 : i64} {
  func.func @_tc_body(%arg0: i32, %arg1: memref<1x1xf32, #tpu.memory_space<smem>>, %arg2: memref<1000x128xf32, #tpu.memory_space<vmem>>, %arg3: memref<2x1000x128xf32, #tpu.memory_space<vmem>>, %arg4: memref<128x128xf32, #tpu.memory_space<vmem>>, %arg5: memref<1x128xf32, #tpu.memory_space<vmem>>, %arg6: memref<1x128xf32, #tpu.memory_space<vmem>>, %arg7: memref<1x128xf32, #tpu.memory_space<vmem>>, %arg8: memref<128x128xf32, #tpu.memory_space<vmem>>, %arg9: memref<1x128xf32, #tpu.memory_space<vmem>>, %arg10: memref<1000x128xf32, #tpu.memory_space<vmem>>) attributes {dimension_semantics = [#tpu.dimension_semantics<arbitrary>], iteration_bounds = array<i64: 10>, scalar_prefetch = 0 : i64, scratch_operands = 0 : i64, tpu.core_type = #tpu.core_type<tc>, window_params = [{transform_indices = @transform_0, window_bounds = array<i64: 1, 1>}, {transform_indices = @transform_1, window_bounds = array<i64: 1000, 128>}, {transform_indices = @transform_2, window_bounds = array<i64: 2, 1000, 128>}, {pipeline_mode = #tpu.pipeline_mode<synchronous>, transform_indices = @transform_3, window_bounds = array<i64: 128, 128>}, {pipeline_mode = #tpu.pipeline_mode<synchronous>, transform_indices = @transform_4, window_bounds = array<i64: 1, 128>}, {pipeline_mode = #tpu.pipeline_mode<synchronous>, transform_indices = @transform_5, window_bounds = array<i64: 1, 128>}, {pipeline_mode = #tpu.pipeline_mode<synchronous>, transform_indices = @transform_6, window_bounds = array<i64: 1, 128>}, {pipeline_mode = #tpu.pipeline_mode<synchronous>, transform_indices = @transform_7, window_bounds = array<i64: 128, 128>}, {pipeline_mode = #tpu.pipeline_mode<synchronous>, transform_indices = @transform_8, window_bounds = array<i64: 1, 128>}, {transform_indices = @transform_9, window_bounds = array<i64: 1000, 128>}]} {
    %get3A = arith.constant 0 : index
    %get3A_0 = arith.constant 0 : index
    %get3A_1 = memref.load %arg1[%get3A, %get3A_0] : memref<1x1xf32, #tpu.memory_space<smem>>
    %get3A_2 = arith.constant 0 : index
    %get3A_3 = arith.constant 0 : index
    %get3A_4 = vector.load %arg2[%get3A_2, %get3A_3] : memref<1000x128xf32, #tpu.memory_space<vmem>>, vector<1000x128xf32>
    %mul3A = vector.broadcast %get3A_1 : f32 to vector<1000x128xf32>
    %mul3A_5 = arith.mulf %mul3A, %get3A_4 : vector<1000x128xf32>
    %get3A_6 = arith.constant 0 : index
    %get3A_7 = arith.constant 0 : index
    %get3A_8 = arith.constant 0 : index
    %get3A_9 = vector.load %arg3[%get3A_6, %get3A_7, %get3A_8] : memref<2x1000x128xf32, #tpu.memory_space<vmem>>, vector<1x1000x128xf32>
    %get3A_10 = vector.shape_cast %get3A_9 : vector<1x1000x128xf32> to vector<1000x128xf32>
    %add3A = arith.addf %mul3A_5, %get3A_10 : vector<1000x128xf32>
    %get3A_11 = arith.constant 1 : index
    %get3A_12 = arith.constant 0 : index
    %get3A_13 = arith.constant 0 : index
    %get3A_14 = vector.load %arg3[%get3A_11, %get3A_12, %get3A_13] : memref<2x1000x128xf32, #tpu.memory_space<vmem>>, vector<1x1000x128xf32>
    %get3A_15 = vector.shape_cast %get3A_14 : vector<1x1000x128xf32> to vector<1000x128xf32>
    %add3A_16 = arith.addf %add3A, %get3A_15 : vector<1000x128xf32>
    %get3A_17 = arith.constant 0 : index
    %get3A_18 = arith.constant 0 : index
    %get3A_19 = vector.load %arg4[%get3A_17, %get3A_18] : memref<128x128xf32, #tpu.memory_space<vmem>>, vector<128x128xf32>
    %dot_general3A = arith.constant dense<0.000000e+00> : vector<1000x128xf32>
    %dot_general3A_20 = tpu.matmul %add3A_16, %get3A_19, %dot_general3A {dimension_numbers = #tpu.dot_dimension_numbers<[1], [0], [0], [1], [0, 0, 1, 1], [], []>, transpose_lhs_hint = false} : vector<1000x128xf32>, vector<128x128xf32>, vector<1000x128xf32> -> vector<1000x128xf32>
    %get3A_21 = arith.constant 0 : index
    %get3A_22 = arith.constant 0 : index
    %get3A_23 = vector.load %arg5[%get3A_21, %get3A_22] : memref<1x128xf32, #tpu.memory_space<vmem>>, vector<1x128xf32>
    %add3A_24 = vector.broadcast %get3A_23 : vector<1x128xf32> to vector<1000x128xf32>
    %add3A_25 = arith.addf %dot_general3A_20, %add3A_24 : vector<1000x128xf32>
    %reduce_sum3A = arith.constant dense<0.000000e+00> : vector<1000xf32>
    %reduce_sum3A_26 = vector.multi_reduction <add>, %add3A_25, %reduce_sum3A [1] : vector<1000x128xf32> to vector<1000xf32>
    %broadcast_in_dim3A = vector.shape_cast %reduce_sum3A_26 : vector<1000xf32> to vector<1000x1xf32>
    %div3A = arith.constant 1.280000e+02 : f32
    %div3A_27 = vector.broadcast %div3A : f32 to vector<1000x1xf32>
    %div3A_28 = arith.divf %broadcast_in_dim3A, %div3A_27 : vector<1000x1xf32>
    %sub3A = vector.broadcast %div3A_28 : vector<1000x1xf32> to vector<1000x128xf32>
    %sub3A_29 = arith.subf %add3A_25, %sub3A : vector<1000x128xf32>
    %sub3A_30 = vector.broadcast %div3A_28 : vector<1000x1xf32> to vector<1000x128xf32>
    %sub3A_31 = arith.subf %add3A_25, %sub3A_30 : vector<1000x128xf32>
    %mul3A_32 = arith.mulf %sub3A_29, %sub3A_31 : vector<1000x128xf32>
    %reduce_sum3A_33 = arith.constant dense<0.000000e+00> : vector<1000xf32>
    %reduce_sum3A_34 = vector.multi_reduction <add>, %mul3A_32, %reduce_sum3A_33 [1] : vector<1000x128xf32> to vector<1000xf32>
    %broadcast_in_dim3A_35 = vector.shape_cast %reduce_sum3A_34 : vector<1000xf32> to vector<1000x1xf32>
    %div3A_36 = arith.constant 1.280000e+02 : f32
    %div3A_37 = vector.broadcast %div3A_36 : f32 to vector<1000x1xf32>
    %div3A_38 = arith.divf %broadcast_in_dim3A_35, %div3A_37 : vector<1000x1xf32>
    %sub3A_39 = vector.broadcast %div3A_28 : vector<1000x1xf32> to vector<1000x128xf32>
    %sub3A_40 = arith.subf %add3A_25, %sub3A_39 : vector<1000x128xf32>
    %add3A_41 = arith.constant 9.99999974E-6 : f32
    %add3A_42 = vector.broadcast %add3A_41 : f32 to vector<1000x1xf32>
    %add3A_43 = arith.addf %div3A_38, %add3A_42 : vector<1000x1xf32>
    %rsqrt3A = math.rsqrt %add3A_43 : vector<1000x1xf32>
    %mul3A_44 = vector.broadcast %rsqrt3A : vector<1000x1xf32> to vector<1000x128xf32>
    %mul3A_45 = arith.mulf %sub3A_40, %mul3A_44 : vector<1000x128xf32>
    %get3A_46 = arith.constant 0 : index
    %get3A_47 = arith.constant 0 : index
    %get3A_48 = vector.load %arg6[%get3A_46, %get3A_47] : memref<1x128xf32, #tpu.memory_space<vmem>>, vector<1x128xf32>
    %mul3A_49 = vector.broadcast %get3A_48 : vector<1x128xf32> to vector<1000x128xf32>
    %mul3A_50 = arith.mulf %mul3A_45, %mul3A_49 : vector<1000x128xf32>
    %get3A_51 = arith.constant 0 : index
    %get3A_52 = arith.constant 0 : index
    %get3A_53 = vector.load %arg7[%get3A_51, %get3A_52] : memref<1x128xf32, #tpu.memory_space<vmem>>, vector<1x128xf32>
    %add3A_54 = vector.broadcast %get3A_53 : vector<1x128xf32> to vector<1000x128xf32>
    %add3A_55 = arith.addf %mul3A_50, %add3A_54 : vector<1000x128xf32>
    %max3A = arith.constant 0.000000e+00 : f32
    %max3A_56 = vector.broadcast %max3A : f32 to vector<1000x128xf32>
    %max3A_57 = arith.maximumf %add3A_55, %max3A_56 : vector<1000x128xf32>
    %get3A_58 = arith.constant 0 : index
    %get3A_59 = arith.constant 0 : index
    %get3A_60 = vector.load %arg8[%get3A_58, %get3A_59] : memref<128x128xf32, #tpu.memory_space<vmem>>, vector<128x128xf32>
    %dot_general3A_61 = arith.constant dense<0.000000e+00> : vector<1000x128xf32>
    %dot_general3A_62 = tpu.matmul %max3A_57, %get3A_60, %dot_general3A_61 {dimension_numbers = #tpu.dot_dimension_numbers<[1], [0], [0], [1], [0, 0, 1, 1], [], []>, transpose_lhs_hint = false} : vector<1000x128xf32>, vector<128x128xf32>, vector<1000x128xf32> -> vector<1000x128xf32>
    %get3A_63 = arith.constant 0 : index
    %get3A_64 = arith.constant 0 : index
    %get3A_65 = vector.load %arg9[%get3A_63, %get3A_64] : memref<1x128xf32, #tpu.memory_space<vmem>>, vector<1x128xf32>
    %add3A_66 = vector.broadcast %get3A_65 : vector<1x128xf32> to vector<1000x128xf32>
    %add3A_67 = arith.addf %dot_general3A_62, %add3A_66 : vector<1000x128xf32>
    %swap3A = arith.constant 0 : index
    %swap3A_68 = arith.constant 0 : index
    %swap3A_69 = vector.load %arg10[%swap3A, %swap3A_68] : memref<1000x128xf32, #tpu.memory_space<vmem>>, vector<1000x128xf32>
    tpu.vector_store %arg10[%swap3A, %swap3A_68], %add3A_67 {strides = array<i32>} : memref<1000x128xf32, #tpu.memory_space<vmem>>, vector<1000x128xf32>,
    return
  }
  func.func @transform_0(%arg0: i32) -> (i32, i32) {
    %c0_i32 = arith.constant 0 : i32
    %c0_i32_0 = arith.constant 0 : i32
    %c0_i32_1 = arith.constant 0 : i32
    return %c0_i32, %c0_i32_0 : i32, i32
  }
  func.func @transform_1(%arg0: i32) -> (i32, i32) {
    %c0_i32 = arith.constant 0 : i32
    %c0_i32_0 = arith.constant 0 : i32
    return %arg0, %c0_i32 : i32, i32
  }
  func.func @transform_2(%arg0: i32) -> (i32, i32, i32) {
    %c0_i32 = arith.constant 0 : i32
    %c0_i32_0 = arith.constant 0 : i32
    %c0_i32_1 = arith.constant 0 : i32
    return %c0_i32, %arg0, %c0_i32_0 : i32, i32, i32
  }
  func.func @transform_3(%arg0: i32) -> (i32, i32) {
    %c0_i32 = arith.constant 0 : i32
    %c0_i32_0 = arith.constant 0 : i32
    %c0_i32_1 = arith.constant 0 : i32
    return %c0_i32, %c0_i32_0 : i32, i32
  }
  func.func @transform_4(%arg0: i32) -> (i32, i32) {
    %c0_i32 = arith.constant 0 : i32
    %c0_i32_0 = arith.constant 0 : i32
    %c0_i32_1 = arith.constant 0 : i32
    return %c0_i32, %c0_i32_0 : i32, i32
  }
  func.func @transform_5(%arg0: i32) -> (i32, i32) {
    %c0_i32 = arith.constant 0 : i32
    %c0_i32_0 = arith.constant 0 : i32
    %c0_i32_1 = arith.constant 0 : i32
    return %c0_i32, %c0_i32_0 : i32, i32
  }
  func.func @transform_6(%arg0: i32) -> (i32, i32) {
    %c0_i32 = arith.constant 0 : i32
    %c0_i32_0 = arith.constant 0 : i32
    %c0_i32_1 = arith.constant 0 : i32
    return %c0_i32, %c0_i32_0 : i32, i32
  }
  func.func @transform_7(%arg0: i32) -> (i32, i32) {
    %c0_i32 = arith.constant 0 : i32
    %c0_i32_0 = arith.constant 0 : i32
    %c0_i32_1 = arith.constant 0 : i32
    return %c0_i32, %c0_i32_0 : i32, i32
  }
  func.func @transform_8(%arg0: i32) -> (i32, i32) {
    %c0_i32 = arith.constant 0 : i32
    %c0_i32_0 = arith.constant 0 : i32
    %c0_i32_1 = arith.constant 0 : i32
    return %c0_i32, %c0_i32_0 : i32, i32
  }
  func.func @transform_9(%arg0: i32) -> (i32, i32) {
    %c0_i32 = arith.constant 0 : i32
    %c0_i32_0 = arith.constant 0 : i32
    return %arg0, %c0_i32 : i32, i32
  }
}

</mosaic_0001>

<sc_bundles>
// kernel: kernel.4.cloned.1.call-start
scs
__scs_entry_jumppad:
0x0: {  	(pc) =	sbr.rel $0x88, $3  }
0x1: {  	(tag) =	ssettag $0x0;
	lr =	simm.s32 $0x1  }
0x2: {  	[smem:$0x3F94] =	sst lr;
	_ =	strace $0xD0000000  }
0x3: {  	_ = 	snop  }
0x4: {  	_ = 	snop  }
0x5: {  	_ = 	snop  }
0x6: {  	_ = 	snop  }
0x7: {  	_ = 	snop  }
__scs_overlays_trampoline_lowered:
0x8: {  	[smem:$0x3FA3] =	sst s0  }
0x9: {  	[smem:$0x3FA4] =	sst s1  }
0xa: {  	[smem:$0x3FA5] =	sst s2  }
0xb: {  	[smem:$0x3FA6] =	sst s3  }
0xc: {  	[smem:$0x3FA7] =	sst s4  }
0xd: {  	[smem:$0x3FA8] =	sst s5  }
0xe: {  	[smem:$0x3FA9] =	sst s6  }
0xf: {  	[smem:$0x3FAA] =	sst s7  }
0x10: {  	[smem:$0x3FAB] =	sst s8  }
0x11: {  	[smem:$0x3FAC] =	sst s9;
	s0 =	simm.s32 @!p0 $0x0  }
0x12: {  	s1 =	sld [smem:$0x3F92];
	s0 =	simm.s32 @p0 $0x1  }
0x13: {  	[smem:$0x3FAD] =	sst s0;
	s0 =	simm.s32 @!p1 $0x0  }
0x14: {  	s2 =	sld [smem:$0x3F91];
	s0 =	simm.s32 @p1 $0x1  }
0x15: {  	[smem:$0x3FAE] =	sst s0;
	s0 =	simm.s32 @!p2 $0x0  }
0x16: {  	s3 =	sld [smem:$0x3FDB];
	s0 =	simm.s32 @p2 $0x1  }
0x17: {  	s4 =	simm.s32 $0x1BF5;
	[smem:$0x3FB0] =	sst s0  }
0x18: {  	s0 =	sld [smem:$0x3F93];
	_ =	swait.ge [sflag:s4], $0x0  }
0x19: {  	s7 =	sld [smem:$0x3F94]  }
0x1a: {  	s8 =	sadd.s32 $0xFFFFE003, lr  }
0x1b: {  	s9 =	sadd.s32 $0xFFFFFEF7, lr;
	s5 =	simm.s32 $0xFFFFFFFF;
	p2 =	slt.u32 s8, $0xFFFFF086  }
0x1c: {  	p1 =	slt.u32 s9, $0xF7A;
	s5 =	simm.s32 @!p2 $0x0  }
0x1d: {  	s5 =	simm.s32 @p1 $0x1;
	p0 =	seq.s32 s7, s2  }
0x1e: {  	s7 =	smul.u32 @!p0 $0xF7A, s2;
	p2 =	seq.s32 @!p0 s5, $0x0  }
0x1f: {  	s9 =	smul.u32 $0xF7A, s1;
	s8 =	simm.s32 @!p0 $0x1BF5;
	p2 =	por !p2, p0  }
0x20: {  	[sflag:s8] =	ssyncset.s32 @!p0 $0xFFFFF086;
	s6 =	sadd.s32 @!p0 s3, s7;
	s7 =	simm.s32 @!p0 $0x108  }
0x21: {  	s3 =	sadd.s32 s3, s9;
	s6 =	sadd.s32 @!p0 $0x88, s6;
	s7 =	simm.s32 @p2 $0x1082  }
0x22: {  	[simem:s7], [sflag:s8] =	dma.local @!p0 [hbm:s6], $0xF7A  }
0x23: {  	s9 =	sor.u32 $0xD0000000, s2;
	s6 =	simm.s32 $0x108;
	_ =	swait.ge @!p0 [sflag:s8], $0x0  }
0x24: {  	s3 =	sadd.s32 $0x88, s3;
	s6 =	simm.s32 @!p1 $0x1082;
	[sflag:s4] =	ssyncset.s32 $0xFFFFF086  }
0x25: {  	[simem:s6], [sflag:s4] =	dma.local [hbm:s3], $0xF7A  }
0x26: {  	[smem:$0x3F94] =	sst s1;
	(tag) =	ssettag s2;
	_ =	strace s9  }
0x27: {  	s1 =	sld [smem:$0x3FA4]  }
0x28: {  	s2 =	sld [smem:$0x3FA5]  }
0x29: {  	s4 =	sld [smem:$0x3FA7]  }
0x2a: {  	p0 =	seq.s32 s5, $0x0;
	s5 =	sld [smem:$0x3FA8]  }
0x2b: {  	s6 =	sld [smem:$0x3FA9]  }
0x2c: {  	s7 =	sld [smem:$0x3FAA]  }
0x2d: {  	s3 =	simm.s32 $0x108;
	s8 =	sld [smem:$0x3FAB]  }
0x2e: {  	s3 =	simm.s32 @!p0 $0x1082;
	s9 =	sld [smem:$0x3FAC]  }
0x2f: {  	lr =	sadd.s32 s0, s3;
	s0 =	sld [smem:$0x3FA3]  }
0x30: {  	s3 =	sld [smem:$0x3FA6]  }
0x31: {  	[smem:$0x3FAF] =	sst s10  }
0x32: {  	s10 =	sld [smem:$0x3FAD];
	_ =	sdelay $0x3  }
0x33: {  	p0 =	seq.s32 s10, $0x1;
	s10 =	sld [smem:$0x3FAF];
	_ =	sdelay $0x3  }
0x34: {  	[smem:$0x3FAF] =	sst s10  }
0x35: {  	s10 =	sld [smem:$0x3FAE];
	_ =	sdelay $0x3  }
0x36: {  	p1 =	seq.s32 s10, $0x1;
	s10 =	sld [smem:$0x3FAF];
	_ =	sdelay $0x3  }
0x37: {  	[smem:$0x3FAF] =	sst s10  }
0x38: {  	s10 =	sld [smem:$0x3FB0]  }
0x39: {  	_ = 	snop;
	(pc) =	sbr.ind lr, $3  }
0x3a: {  	_ = 	snop  }
0x3b: {  	_ = 	snop  }
0x3c: {  	p2 =	seq.s32 s10, $0x1;
	s10 =	sld [smem:$0x3FAF]  }
0x3d: {  	_ =	shalt  }
0x3e: {  	_ =	shalt  }
0x3f: {  	_ =	shalt  }
0x40: {  	_ =	shalt  }
0x41: {  	_ =	shalt  }
0x42: {  	_ =	shalt  }
0x43: {  	_ =	shalt  }
0x44: {  	_ =	shalt  }
0x45: {  	_ =	shalt  }
0x46: {  	_ =	shalt  }
0x47: {  	_ =	shalt  }
0x48: {  	_ =	shalt  }
0x49: {  	_ =	shalt  }
0x4a: {  	_ =	shalt  }
0x4b: {  	_ =	shalt  }
0x4c: {  	_ =	shalt  }
0x4d: {  	_ =	shalt  }
0x4e: {  	_ =	shalt  }
0x4f: {  	_ =	shalt  }
0x50: {  	_ =	shalt  }
0x51: {  	_ =	shalt  }
0x52: {  	_ =	shalt  }
0x53: {  	_ =	shalt  }
0x54: {  	_ =	shalt  }
0x55: {  	_ =	shalt  }
0x56: {  	_ =	shalt  }
0x57: {  	_ =	shalt  }
0x58: {  	_ =	shalt  }
0x59: {  	_ =	shalt  }
0x5a: {  	_ =	shalt  }
0x5b: {  	_ =	shalt  }
0x5c: {  	_ =	shalt  }
0x5d: {  	_ =	shalt  }
0x5e: {  	_ =	shalt  }
0x5f: {  	_ =	shalt  }
0x60: {  	_ =	shalt  }
0x61: {  	_ =	shalt  }
0x62: {  	_ =	shalt  }
0x63: {  	_ =	shalt  }
0x64: {  	_ =	shalt  }
0x65: {  	_ =	shalt  }
0x66: {  	_ =	shalt  }
0x67: {  	_ =	shalt  }
0x68: {  	_ =	shalt  }
0x69: {  	_ =	shalt  }
0x6a: {  	_ =	shalt  }
0x6b: {  	_ =	shalt  }
0x6c: {  	_ =	shalt  }
0x6d: {  	_ =	shalt  }
0x6e: {  	_ =	shalt  }
0x6f: {  	_ =	shalt  }
0x70: {  	_ =	shalt  }
0x71: {  	_ =	shalt  }
0x72: {  	_ =	shalt  }
0x73: {  	_ =	shalt  }
0x74: {  	_ =	shalt  }
0x75: {  	_ =	shalt  }
0x76: {  	_ =	shalt  }
0x77: {  	_ =	shalt  }
0x78: {  	_ =	shalt  }
0x79: {  	_ =	shalt  }
0x7a: {  	_ =	shalt  }
0x7b: {  	_ =	shalt  }
0x7c: {  	_ =	shalt  }
0x7d: {  	_ =	shalt  }
0x7e: {  	_ =	shalt  }
0x7f: {  	_ =	shalt  }
0x80: {  	_ =	shalt  }
0x81: {  	_ =	shalt  }
0x82: {  	_ =	shalt  }
0x83: {  	_ =	shalt  }
0x84: {  	_ =	shalt  }
0x85: {  	_ =	shalt  }
0x86: {  	_ =	shalt  }
0x87: {  	_ =	shalt  }
.Lfunc_end0:
.L_simem_size_0:
called_computation_lowered:
.L_overlay_start_0:
0x88: {  	s2 =	sld [smem:$0x3FD9]  }
0x89: {  	s3 =	sld [smem:$0x3FFE];
	_ =	sdelay $0x1  }
0x8a: {  	s1 =	srdreg.scid  }
0x8b: {  	s0 =	sand.u32 $0x1, s1  }
0x8c: {  	s17 =	sshll.u32 s0, $0xA;
	s2 =	sadd.s32 s3, s2  }
0x8d: {  	s2 =	sadd.s32 s2, s17  }
0x8e: {  	[smem:$0x3FBB] =	sst s2  }
0x8f: {  	_ = 	snop  }
0x90: {  	s2 =	sld [smem:$0x3FC9]  }
0x91: {  	s18 =	sld [smem:$0x3FD0];
	(tm) =	ssettm $0x1  }
0x92: {  	s4 =	sld [smem:$0x3FFB];
	_ =	sdelay $0x3  }
0x93: {  	_ =	strace s4  }
0x94: {  	s4 =	sld [smem:$0x3FFC];
	_ =	sdelay $0x3  }
0x95: {  	_ =	strace s4  }
0x96: {  	s4 =	sld [smem:$0x3FFD];
	_ =	sdelay $0x3  }
0x97: {  	_ =	strace s4  }
0x98: {  	_ =	strace $0x8FFFFFFF  }
0x99: {  	s19 =	sld [smem:$0x3FDB];
	_ =	sdelay $0x1  }
0x9a: {  	s5 =	simm.s32 $_scs_section_size  }
0x9b: {  	s6 =	simm.s32 $_size__tile_overlayer_lowered;
	s7 =	simm.s32 $_tile_overlayer_lowered  }
0x9c: {  	s22 =	simm.s32 $0x1BFF;
	s21 =	sshll.u32 s7, $0x1;
	s4 =	sadd.s32 s5, s19  }
0x9d: {  	s8 =	simm.s32 $0x0;
	s20 =	sshll.u32 s6, $0x1;
	s6 =	sadd.s32 s21, s4  }
0x9e: {  	[timem:s8], [sflag:s22] =	dma.local [hbm:s6], s20  }
0x9f: {  	_ =	swait.ge [sflag:s22], s20  }
0xa0: {  	s5 =	ssub.s32 $0x0, s20;
	[sflag:s22] =	ssyncset.done $0x0  }
0xa1: {  	[sflag:s22] =	ssyncadd.s32 s5;
	_ =	sdelay $0x1  }
0xa2: {  	s23 =	simm.s32 $0x1B8B  }
0xa3: {  	_ =	swait.ge [sflag:s23], $0x1  }
0xa4: {  	[sflag:s23] =	ssyncset.done $0x0  }
0xa5: {  	s25 =	simm.s32 $0x1B8E;
	s24 =	sld [smem:$0x3FFE];
	[sflag:s23] =	ssyncadd.s32 $0xFFFFFFFF  }
0xa6: {  	s26 =	simm.s32 $execute0_lowered;
	[smem:$0x3FD2] =	sst s25  }
0xa7: {  	s6 =	sshll.u32 s26, $0x1;
	_ =	strace $0x80000046;
	[dreg:$0x1] =	wrdreg $0xFFFFFFFF  }
0xa8: {  	s28 =	simm.s32 $_size_execute0_lowered;
	s4 =	sadd.s32 s4, s6;
	[dreg:$0x0] =	wrdreg $0x0  }
0xa9: {  	s6 =	sshll.u32 s28, $0x1;
	[dreg:$0x2] =	wrdreg s4  }
0xaa: {  	[dreg:$0x3] =	wrdreg s6  }
0xab: {  	[dreg:$0x4] =	wrdreg $0xC0  }
0xac: {  	_ =	task [dreg:s8], $0x5FFFF  }
0xad: {  	[dreg:$0x1] =	wrdreg $0xFFFFFFFF  }
0xae: {  	[dreg:$0x0] =	wrdreg $0x60  }
0xaf: {  	[dreg:$0x2] =	wrdreg s2  }
0xb0: {  	[dreg:$0x3] =	wrdreg s24  }
0xb1: {  	[dreg:$0x4] =	wrdreg s18  }
0xb2: {  	[dreg:$0x5] =	wrdreg $0x83800  }
0xb3: {  	[dreg:$0x6] =	wrdreg $0x9  }
0xb4: {  	_ =	task.clear_ibuf [dreg:s8], $0x7FFFF;
	_ =	strace $0x90000046  }
0xb5: {  	s29 =	simm.s32 $0x9;
	_ =	strace $0x80000048  }
0xb6: {  	_ =	swait.ge [sflag:s29], $0x1  }
0xb7: {  	[sflag:s29] =	ssyncadd.s32 $0xFFFFFFFF  }
0xb8: {  	_ =	strace $0x90000048  }
0xb9: {  	_ =	sfence  }
0xba: {  	s30 =	sld [smem:$0x0];
	_ =	sdelay $0x2  }
0xbb: {  	s31 =	sshll.u32 s1, $0xD;
	s1 =	sshrl.u32 s1, $0x2  }
0xbc: {  	s3 =	sand.u32 $0x4000, s31;
	s1 =	sadd.s32 s1, s30  }
0xbd: {  	s0 =	sor.u32 s3, s0;
	s1 =	sshll.u32 s1, $0x11  }
0xbe: {  	s0 =	sor.u32 s1, s0  }
0xbf: {  	s0 =	sadd.s32 $0x8F2B, s0  }
0xc0: {  	[sflag:s0] =	ssyncadd.remote.s32 $0x1  }
0xc1: {  	_ =	sfence.sel $0xFFFF  }
0xc2: {  	[dreg:$0x0] =	wrdreg $0xFFFFFFFF;
	(pc) =	sbr.abs _section_cstart, $3  }
0xc3: {  	[dreg:$0x1] =	wrdreg $0xFFFFFFFF  }
0xc4: {  	_ =	task.clear_ibuf [dreg:s8], $0x2FFFF;
	_ =	strace $0x9FFFFFFF  }
0xc5: {  	(tm) =	ssettm $0x7FFFFFFF  }
tec
execute0_lowered:
.L_overlay_start_1:
0x0: {  	(tag) =	ssettag $0x1  }
0x1: {  	s0 =	rddreg [dreg:$0x0]  }
0x2: {  	s9 =	rddreg [dreg:$0x1]  }
0x3: {  	s3 =	rddreg [dreg:$0x2];
	s1 =	srdreg.scid  }
0x4: {  	s4 =	rddreg [dreg:$0x3];
	s2 =	stileid.u32  }
0x5: {  	s5 =	simm.s32 $0x0;
	s17 =	simm.s32 $0x380;
	s18 =	simm.s32 $0x3  }
0x6: {  	s19 =	simm.s32 $0x80;
	s20 =	simm.s32 $0x100;
	s21 =	simm.s32 $0x300  }
0x7: {  	s22 =	simm.s32 $0x4380;
	s23 =	simm.s32 $0x1;
	s24 =	simm.s32 $0x2  }
0x8: {  	s10 =	sand.u32 $0x1, s1;
	s1 =	rddreg [dreg:$0x4];
	s8 =	smul.u32 $0x13C00, s2  }
0x9: {  	[smem:$0x7FF] =	sst s5;
	s6 =	sadd.s32 $0x29400, s9;
	s12 =	smul.u32 $0x4F000, s2  }
0xa: {  	s13 =	sshll.u32 s2, $0x1;
	s7 =	smul.u32 $0x13C000, s10;
	s30 =	ssub.s32 $0x2, s10  }
0xb: {  	_ =	strace $0x80000047;
	s14 =	sor.u32 s10, s13;
	s31 =	sshrl.u32 s30, $0x1  }
0xc: {  	s12 =	sshrl.u32 s12, $0x2;
	s14 =	smul.u32 $0x4F, s14;
	s8 =	sadd.s32 s8, s7  }
0xd: {  	s7 =	sadd.s32 $0x1C00, s9;
	s16 =	ssub.s32 s30, s31;
	s11 =	sshrl.u32 s8, $0x3  }
0xe: {  	s8 =	sadd.s32 $0x29800, s9;
	s15 =	sadd.s32 s11, s9;
	s9 =	sadd.s32 s12, s4  }
0xf: {  	s16 =	smax.u32 s16, $0x1;
	s10 =	sadd.s32 $0x4000, s9;
	s11 =	sadd.s32 $0x8000, s9  }
0x10: {  	v0 =	vimm.f32 $0.0e+00;
	s12 =	sadd.s32 $0xC000, s9;
	s13 =	sadd.s32 $0x10000, s9;
	s15 =	sadd.s32 $0x33600, s15  }
.LBB2_1:
0x11: {  	s25 =	simm.s32 $0x0;
	s26 =	simm.s32 $0x200  }
.LBB2_2:
0x12: {  	p0 =	sne.s32 s26, $0xFE00;
	[tilespmem:s25+$0x3F0] =	vst v0  }
0x13: {  	[tilespmem:s25+$0x380] =	vst v0  }
0x14: {  	[tilespmem:s25+$0x390] =	vst v0  }
.Ltmp0:
0x15: {  	[tilespmem:s25+$0x3A0] =	vst v0;
	(pc) =	sbr.rel @p0 .LBB2_2-.Ltmp0, $4  }
0x16: {  	[tilespmem:s25+$0x3B0] =	vst v0  }
0x17: {  	[tilespmem:s25+$0x3C0] =	vst v0  }
0x18: {  	[tilespmem:s25+$0x3D0] =	vst v0  }
0x19: {  	[tilespmem:s25+$0x3E0] =	vst v0;
	s25 =	sshra.s32 s26, $0x2;
	s26 =	sadd.s32 $0x200, s26  }
0x1a: {  	[tilespmem:s25+$0x3F0] =	vst v0  }
0x1b: {  	[tilespmem:s25+$0x380] =	vst v0  }
0x1c: {  	[tilespmem:s25+$0x390] =	vst v0  }
0x1d: {  	[tilespmem:s25+$0x3A0] =	vst v0  }
0x1e: {  	[tilespmem:s25+$0x3B0] =	vst v0  }
0x1f: {  	[tilespmem:s25+$0x3C0] =	vst v0  }
0x20: {  	[tilespmem:s25+$0x3D0] =	vst v0  }
0x21: {  	[tilespmem:s25+$0x3E0] =	vst v0  }
0x22: {  	[spmem:s9] =	stream.linear.scatter [tilespmem:s17], [sflag:$0x3], $0x4000, $0x38;
	[tilespmem:$0x1BF80] =	vst v63  }
0x23: {  	_ =	swait.ge [sflag:s18], $0x4000  }
0x24: {  	[sflag:s18] =	ssyncset.done $0x0  }
0x25: {  	[sflag:s18] =	ssyncadd.s32 $0xFFFFC000  }
0x26: {  	[spmem:s10] =	stream.linear.scatter [tilespmem:s17], [sflag:$0x3], $0x4000, $0x38;
	[tilespmem:$0x1BF80] =	vst v63  }
0x27: {  	_ =	swait.ge [sflag:s18], $0x4000  }
0x28: {  	[sflag:s18] =	ssyncset.done $0x0  }
0x29: {  	[sflag:s18] =	ssyncadd.s32 $0xFFFFC000  }
0x2a: {  	[spmem:s11] =	stream.linear.scatter [tilespmem:s17], [sflag:$0x3], $0x4000, $0x38;
	[tilespmem:$0x1BF80] =	vst v63  }
0x2b: {  	_ =	swait.ge [sflag:s18], $0x4000  }
0x2c: {  	[sflag:s18] =	ssyncset.done $0x0  }
0x2d: {  	[sflag:s18] =	ssyncadd.s32 $0xFFFFC000  }
0x2e: {  	[spmem:s12] =	stream.linear.scatter [tilespmem:s17], [sflag:$0x3], $0x4000, $0x38;
	[tilespmem:$0x1BF80] =	vst v63  }
0x2f: {  	_ =	swait.ge [sflag:s18], $0x4000  }
0x30: {  	[sflag:s18] =	ssyncset.done $0x0  }
0x31: {  	[sflag:s18] =	ssyncadd.s32 $0xFFFFC000  }
0x32: {  	[spmem:s13] =	stream.linear.scatter [tilespmem:s17], [sflag:$0x3], $0x3C00, $0x38;
	[tilespmem:$0x1BF80] =	vst v63  }
0x33: {  	_ =	swait.ge [sflag:s18], $0x3C00  }
0x34: {  	[sflag:s18] =	ssyncset.done $0x0  }
0x35: {  	[sflag:s18] =	ssyncadd.s32 $0xFFFFC400  }
0x36: {  	s25 =	simm.s32 $0x0;
	s26 =	simm.s32 $0x0;
	[bflag:$0x0] =	sbarrier.arrive $0xFFFF  }
.LBB2_4:
0x37: {  	s28 =	sadd.s32 s14, s26  }
0x38: {  	s29 =	sshll.u32 s28, $0x4  }
0x39: {  	s30 =	sadd.s32 s8, s29  }
0x3a: {  	[tilespmem:s25], [sflag:$0x3] =	stream.linear.gather [hbm4b:s30+s25], $0x80, $0x38;
	[tilespmem:$0x1BF80] =	vst v63  }
0x3b: {  	_ =	swait.ge [sflag:s18], $0x80  }
0x3c: {  	[sflag:s18] =	ssyncset.done $0x0  }
0x3d: {  	s29 =	sadd.s32 s3, s29;
	[sflag:s18] =	ssyncadd.s32 $0xFFFFFF80  }
0x3e: {  	[tilespmem:s19], [sflag:$0x3] =	stream.linear.gather [hbm4b:s29+s25], $0x80, $0x38;
	[tilespmem:$0x1BF80] =	vst v63  }
0x3f: {  	_ =	swait.ge [sflag:s18], $0x80  }
0x40: {  	s28 =	sshll.u32 s28, $0x6;
	[sflag:s18] =	ssyncset.done $0x0  }
0x41: {  	s28 =	sadd.s32 s7, s28;
	[sflag:s18] =	ssyncadd.s32 $0xFFFFFF80  }
0x42: {  	[tilespmem:s20], [sflag:$0x3] =	stream.linear.gather [hbm4b:s28+s25], $0x180, $0x38;
	[tilespmem:$0x1BF80] =	vst v63  }
0x43: {  	_ =	swait.ge [sflag:s18], $0x180  }
0x44: {  	[sflag:s18] =	ssyncset.done $0x0  }
0x45: {  	[sflag:s18] =	ssyncadd.s32 $0xFFFFFE80  }
0x46: {  	v1 =	vld [tilespmem:$0x100]  }
0x47: {  	v2 =	vld [tilespmem:$0x180]  }
0x48: {  	v3 =	vld [tilespmem:$0x200]  }
0x49: {  	v4 =	vld [tilespmem:$0x110]  }
0x4a: {  	v5 =	vld [tilespmem:$0x190]  }
0x4b: {  	v6 =	vld [tilespmem:$0x210]  }
0x4c: {  	v7 =	vld [tilespmem:$0x120]  }
0x4d: {  	v8 =	vld [tilespmem:$0x1A0]  }
0x4e: {  	v9 =	vld [tilespmem:$0x220]  }
0x4f: {  	v10 =	vld [tilespmem:$0x130]  }
0x50: {  	v11 =	vld [tilespmem:$0x1B0]  }
0x51: {  	v12 =	vld [tilespmem:$0x230]  }
0x52: {  	v13 =	vld [tilespmem:$0x140]  }
0x53: {  	v14 =	vld [tilespmem:$0x1C0]  }
0x54: {  	v15 =	vld [tilespmem:$0x240]  }
0x55: {  	v16 =	vld [tilespmem:$0x150]  }
0x56: {  	v17 =	vld [tilespmem:$0x1D0];
	v1 =	vmul.u32 $0xC, v1  }
0x57: {  	v18 =	vld [tilespmem:$0x250];
	v2 =	vshll.u32 v2, $0x1;
	v4 =	vmul.u32 $0xC, v4  }
0x58: {  	v1 =	vadd.s32 v1, v2;
	v2 =	vshll.u32 v5, $0x1;
	v5 =	vld [tilespmem:$0x160]  }
0x59: {  	v1 =	vadd.s32 v3, v1;
	v2 =	vadd.s32 v4, v2;
	v3 =	vmul.u32 $0xC, v7;
	v4 =	vld [tilespmem:$0x1E0]  }
0x5a: {  	v7 =	vmul.u32 $0xC, v10;
	v2 =	vadd.s32 v6, v2;
	v6 =	vshll.u32 v8, $0x1;
	v8 =	vld [tilespmem:$0x170]  }
0x5b: {  	v10 =	vmul.u32 $0xC, v13;
	v3 =	vadd.s32 v3, v6;
	v6 =	vshll.u32 v11, $0x1;
	v11 =	vld [tilespmem:$0x1F0]  }
0x5c: {  	[tilespmem:$0x300] =	vst v1;
	v1 =	vadd.s32 v9, v3;
	v3 =	vadd.s32 v7, v6;
	v6 =	vshll.u32 v14, $0x1;
	v7 =	vld [tilespmem:$0x260]  }
0x5d: {  	[tilespmem:$0x310] =	vst v2;
	v9 =	vld [tilespmem:$0x270];
	v2 =	vadd.s32 v12, v3;
	v3 =	vadd.s32 v10, v6;
	v6 =	vmul.u32 $0xC, v16  }
0x5e: {  	[tilespmem:$0x320] =	vst v1;
	v5 =	vmul.u32 $0xC, v5;
	v1 =	vadd.s32 v15, v3;
	v3 =	vshll.u32 v17, $0x1  }
0x5f: {  	[tilespmem:$0x330] =	vst v2;
	v2 =	vadd.s32 v6, v3;
	v3 =	vshll.u32 v4, $0x1;
	v4 =	vmul.u32 $0xC, v8  }
0x60: {  	[tilespmem:$0x340] =	vst v1;
	v1 =	vadd.s32 v18, v2;
	v2 =	vadd.s32 v5, v3;
	v3 =	vshll.u32 v11, $0x1  }
0x61: {  	[tilespmem:$0x350] =	vst v1;
	v1 =	vadd.s32 v7, v2;
	v2 =	vadd.s32 v4, v3  }
0x62: {  	[tilespmem:$0x360] =	vst v1;
	v1 =	vadd.s32 v9, v2  }
0x63: {  	[tilespmem:$0x370] =	vst v1  }
0x64: {  	[tilespmem:s22], [sflag:$0x1] =	stream.indirect.gather [hbm4b:s6+s19], $0x80, s21, s19, $0xb8;
	[tilespmem:$0x1BF80] =	vst v63  }
0x65: {  	_ = 	snop  }
0x66: {  	[tilespmem:s17], [sflag:$0x2] =	stream.indirect.gather [hbm4b:s0+s19], $0x80, s25, s19, $0xb8;
	[tilespmem:$0x1BF80] =	vst v63  }
0x67: {  	_ =	swait.ge [sflag:s23], $0x4000  }
0x68: {  	[sflag:s23] =	ssyncset.done $0x0  }
0x69: {  	[sflag:s23] =	ssyncadd.s32 $0xFFFFC000  }
0x6a: {  	_ =	swait.ge [sflag:s24], $0x4000  }
0x6b: {  	[sflag:s24] =	ssyncset.done $0x0  }
0x6c: {  	s28 =	simm.s32 $0x0;
	[sflag:s24] =	ssyncadd.s32 $0xFFFFC000  }
0x6d: {  	v7 =	vld [tilespmem:s28+$0x4380]  }
0x6e: {  	v12 =	vld [tilespmem:s28+$0x4390]  }
0x6f: {  	v6 =	vld [tilespmem:s28+$0x43A0]  }
0x70: {  	v5 =	vld [tilespmem:s28+$0x43B0]  }
0x71: {  	v4 =	vld [tilespmem:s28+$0x43C0]  }
0x72: {  	v3 =	vld [tilespmem:s28+$0x43D0]  }
0x73: {  	v2 =	vld [tilespmem:s28+$0x43E0]  }
0x74: {  	v1 =	vld [tilespmem:s28+$0x43F0]  }
0x75: {  	v13 =	vld [tilespmem:s28+$0x380]  }
0x76: {  	v14 =	vld [tilespmem:s28+$0x390]  }
0x77: {  	v11 =	vld [tilespmem:s28+$0x3A0]  }
0x78: {  	v10 =	vld [tilespmem:s28+$0x3B0]  }
0x79: {  	v9 =	vld [tilespmem:s28+$0x3C0]  }
0x7a: {  	v8 =	vld [tilespmem:s28+$0x3D0];
	v13 =	vadd.f32 v7, v13  }
0x7b: {  	s29 =	simm.s32 $0x200;
	v12 =	vadd.f32 v12, v14;
	v7 =	vld [tilespmem:s28+$0x3E0]  }
.LBB2_5:
0x7c: {  	s30 =	sshra.s32 s29, $0x2;
	p0 =	sne.s32 s29, $0xFE00;
	v13 =	vmax.f32 v13, $0.0e+00;
	v6 =	vadd.f32 v6, v11;
	v11 =	vld [tilespmem:s28+$0x3F0]  }
0x7d: {  	v14 =	vld [tilespmem:s30+$0x4380];
	[tilespmem:s28+$0x380] =	vst v13;
	v12 =	vmax.f32 v12, $0.0e+00;
	v5 =	vadd.f32 v5, v10  }
0x7e: {  	v15 =	vld [tilespmem:s30+$0x4390];
	[tilespmem:s28+$0x390] =	vst v12;
	v10 =	vmax.f32 v6, $0.0e+00;
	v4 =	vadd.f32 v4, v9  }
0x7f: {  	v6 =	vld [tilespmem:s30+$0x43A0];
	[tilespmem:s28+$0x3A0] =	vst v10;
	v9 =	vmax.f32 v5, $0.0e+00;
	v3 =	vadd.f32 v3, v8  }
0x80: {  	v5 =	vld [tilespmem:s30+$0x43B0];
	[tilespmem:s28+$0x3B0] =	vst v9;
	v8 =	vmax.f32 v4, $0.0e+00;
	v2 =	vadd.f32 v2, v7  }
0x81: {  	v4 =	vld [tilespmem:s30+$0x43C0];
	[tilespmem:s28+$0x3C0] =	vst v8;
	v7 =	vmax.f32 v3, $0.0e+00;
	v1 =	vadd.f32 v1, v11  }
0x82: {  	v3 =	vld [tilespmem:s30+$0x43D0];
	[tilespmem:s28+$0x3D0] =	vst v7;
	v7 =	vmax.f32 v2, $0.0e+00  }
0x83: {  	v2 =	vld [tilespmem:s30+$0x43E0];
	[tilespmem:s28+$0x3E0] =	vst v7;
	v7 =	vmax.f32 v1, $0.0e+00  }
0x84: {  	v1 =	vld [tilespmem:s30+$0x43F0];
	[tilespmem:s28+$0x3F0] =	vst v7;
	s28 =	smov.u32 s30  }
0x85: {  	v7 =	vld [tilespmem:s28+$0x380]  }
0x86: {  	v12 =	vld [tilespmem:s28+$0x390]  }
.Ltmp1:
0x87: {  	v11 =	vld [tilespmem:s28+$0x3A0];
	(pc) =	sbr.rel @p0 .LBB2_5-.Ltmp1, $4  }
0x88: {  	v10 =	vld [tilespmem:s28+$0x3B0]  }
0x89: {  	v9 =	vld [tilespmem:s28+$0x3C0]  }
0x8a: {  	v13 =	vadd.f32 v14, v7;
	v8 =	vld [tilespmem:s28+$0x3D0]  }
0x8b: {  	s29 =	sadd.s32 $0x200, s29;
	v12 =	vadd.f32 v15, v12;
	v7 =	vld [tilespmem:s28+$0x3E0]  }
0x8c: {  	v13 =	vmax.f32 v13, $0.0e+00;
	v6 =	vadd.f32 v6, v11;
	v63 =	vld [tilespmem:s28+$0x3F0]  }
0x8d: {  	[tilespmem:s28+$0x380] =	vst v13;
	v12 =	vmax.f32 v12, $0.0e+00;
	v5 =	vadd.f32 v5, v10  }
0x8e: {  	[tilespmem:s28+$0x390] =	vst v12;
	v6 =	vmax.f32 v6, $0.0e+00;
	v4 =	vadd.f32 v4, v9  }
0x8f: {  	[tilespmem:s28+$0x3A0] =	vst v6;
	v5 =	vmax.f32 v5, $0.0e+00;
	v3 =	vadd.f32 v3, v8  }
0x90: {  	[tilespmem:s28+$0x3B0] =	vst v5;
	v4 =	vmax.f32 v4, $0.0e+00;
	v2 =	vadd.f32 v2, v7  }
0x91: {  	[tilespmem:s28+$0x3C0] =	vst v4;
	v3 =	vmax.f32 v3, $0.0e+00;
	v1 =	vadd.f32 v1, v63  }
0x92: {  	s26 =	sadd.s32 $0x1, s26;
	[tilespmem:s28+$0x3D0] =	vst v3;
	v2 =	vmax.f32 v2, $0.0e+00  }
0x93: {  	p0 =	sne.s32 s26, $0x4F;
	[tilespmem:s28+$0x3E0] =	vst v2;
	v1 =	vmax.f32 v1, $0.0e+00  }
.Ltmp2:
0x94: {  	[tilespmem:s28+$0x3F0] =	vst v1;
	(pc) =	sbr.rel @p0 .LBB2_4-.Ltmp2, $4  }
0x95: {  	[spmem:s4] =	stream.indirect.scatter.add.f32 [tilespmem:s17], [sflag:$0x3], $0x80, s19, s19, $0xb8;
	[tilespmem:$0x1BF80] =	vst v63  }
0x96: {  	_ =	swait.ge [sflag:s18], $0x4000  }
0x97: {  	[sflag:s18] =	ssyncset.done $0x0  }
0x98: {  	[sflag:s18] =	ssyncadd.s32 $0xFFFFC000  }
0x99: {  	s5 =	sadd.s32 $0x1, s5  }
0x9a: {  	s25 =	sshll.u32 s2, $0x6;
	[bflag:$0x0] =	sbarrier.arrive $0xFFFF;
	p0 =	sne.s32 s5, s16  }
.Ltmp3:
0x9b: {  	s26 =	sshrl.u32 s9, $0x3;
	s25 =	sor.u32 $0x1C03, s25;
	(pc) =	sbr.rel @p0 .LBB2_1-.Ltmp3, $4  }
0x9c: {  	[hbm:s15], [sflag:s25] =	dma.local [spmem:s26], $0x2780  }
0x9d: {  	_ =	swait.ge [sflag:s18], $0x2780  }
0x9e: {  	[sflag:s18] =	ssyncset.done $0x0  }
0x9f: {  	[sflag:s18] =	ssyncadd.s32 $0xFFFFD880  }
0xa0: {  	_ =	sfence.sel $0x180000  }
0xa1: {  	[bflag:$0x0] =	sbarrier.arrive $0xFFFF  }
0xa2: {  	p0 =	sne.s32 s2, $0x0;
	_ =	strace $0x90000047  }
0xa3: {  	s0 =	sadd.s32 @!p0 $0x100000, s1;
	[bflag:$0x2] =	sbarrier.arrive $0xFFFF  }
0xa4: {  	[sflag:s0] =	ssyncadd.tile.s32 @!p0 $0x1;
	_ =	shalt  }
.Lfunc_end2:
_tile_overlayer_lowered:
.L_overlay_start_2:
0xa5: {  	(tag) =	ssettag $0x2  }
0xa6: {  	s0 =	rddreg [dreg:$0x0];
	s2 =	stileid.u32  }
0xa7: {  	s1 =	rddreg [dreg:$0x1];
	p0 =	sne.s32 s2, $0x0  }
0xa8: {  	s3 =	rddreg [dreg:$0x2];
	[bflag:$0x3] =	sbarrier.arrive $0xFFFF;
	s2 =	simm.s32 @!p0 $0x1C03  }
0xa9: {  	[timem:s3], [sflag:s2] =	dma.local @!p0 [hbm:s0], s1  }
0xaa: {  	s0 =	simm.s32 @!p0 $0x3  }
0xab: {  	_ =	swait.ge @!p0 [sflag:s0], s1  }
0xac: {  	s1 =	ssub.s32 @!p0 $0x0, s1;
	[sflag:s0] =	ssyncset.done @!p0 $0x0  }
0xad: {  	[sflag:s0] =	ssyncadd.s32 @!p0 s1  }
0xae: {  	[bflag:$0x3] =	sbarrier.arrive $0xFFFF  }
0xaf: {  	_ =	shalt  }

</sc_bundles>
